<compile_context>
chip_gen: v7x
topology: tpu7x:2x2x1
jax: 0.10.2.dev20260603
libtpu: 0.0.44.dev20260713+nightly
codegen_flags: <defaults>
</compile_context>

<pallas_src>
import functools

import jax
import jax.numpy as jnp
from jax import lax
from jax.experimental import pallas as pl
from jax.experimental.pallas import tpu as pltpu
from jax.experimental.pallas import tpu_sc as plsc

D = 128
L = 16
NC = 2
NS = 16
NW = NC * NS
K = 80


def _mm_body(x_ref, w_ref, o_ref):
    o_ref[...] = jnp.dot(x_ref[...], w_ref[...], preferred_element_type=jnp.float32)


def _matmul(x, w):
    n = x.shape[0]
    bm = 2000
    return pl.pallas_call(
        _mm_body,
        grid=(n // bm,),
        in_specs=[
            pl.BlockSpec((bm, D), lambda i: (i, 0)),
            pl.BlockSpec((D, D), lambda i: (0, 0)),
        ],
        out_specs=pl.BlockSpec((bm, D), lambda i: (i, 0)),
        out_shape=jax.ShapeDtypeStruct((n, D), jnp.float32),
    )(x, w)


def _combine_body(eps_ref, p_ref, wx_ref, o_ref):
    agg = p_ref[0].astype(jnp.float32) + p_ref[1].astype(jnp.float32)
    o_ref[...] = agg + eps_ref[0, 0] * wx_ref[...]


def _combine(p, wx, eps):
    n = wx.shape[0]
    bm = 1000
    return pl.pallas_call(
        _combine_body,
        grid=(n // bm,),
        in_specs=[
            pl.BlockSpec(memory_space=pltpu.SMEM),
            pl.BlockSpec((2, bm, D), lambda i: (0, i, 0)),
            pl.BlockSpec((bm, D), lambda i: (i, 0)),
        ],
        out_specs=pl.BlockSpec((bm, D), lambda i: (i, 0)),
        out_shape=jax.ShapeDtypeStruct((n, D), jnp.float32),
    )(eps, p, wx)


def _make_sc_scatter(npad, chunks):
    rows_per_tile = npad // NS
    mesh = plsc.VectorSubcoreMesh(core_axis_name="c", subcore_axis_name="s")

    @functools.partial(
        pl.kernel,
        out_type=jax.ShapeDtypeStruct((NC, npad, D), jnp.float32),
        mesh=mesh,
        scratch_types=[
            pltpu.VMEM((5, 2, K), jnp.int32),
            pltpu.VMEM((4, K, D), jnp.float32),
            pltpu.VMEM_SHARED((npad, D), jnp.float32),
            pltpu.SemaphoreType.DMA((5,)),
            pltpu.SemaphoreType.DMA((4,)),
            pltpu.SemaphoreType.DMA((4,)),
        ],
    )
    def sc_scatter(wx_hbm, rc_hbm, out_hbm, ibuf, gbuf, acc, isem, gsem, ssem):
        c = lax.axis_index("c")
        s = lax.axis_index("s")
        w = s * NC + c

        def _idx_start(j, q):
            pltpu.async_copy(rc_hbm.at[w, j], ibuf.at[q], isem.at[q])

        def _idx_wait(j, q):
            pltpu.make_async_copy(rc_hbm.at[w, j], ibuf.at[q], isem.at[q]).wait()

        def _gather_start(j, q, p):
            pltpu.async_copy(wx_hbm.at[ibuf.at[q, 1]], gbuf.at[p], gsem.at[p])

        def _gather_wait(j, q, p):
            pltpu.make_async_copy(wx_hbm.at[ibuf.at[q, 1]], gbuf.at[p], gsem.at[p]).wait()

        def _scatter_desc(q, p):
            return pltpu.make_async_copy(gbuf.at[p], acc.at[ibuf.at[q, 0]], ssem.at[p])

        _idx_start(0, 0)
        _idx_start(1, 1)
        _idx_wait(0, 0)
        _gather_start(0, 0, 0)
        _idx_wait(1, 1)
        _gather_start(1, 1, 1)
        _idx_start(2, 2)

        def _zrow(i, carry):
            def _zcol(j, carry2):
                gbuf[2, i, pl.ds(j * L, L)] = jnp.zeros((L,), jnp.float32)
                return carry2
            return lax.fori_loop(0, D // L, _zcol, carry)
        lax.fori_loop(0, K, _zrow, 0)
        for b in range(rows_per_tile // K):
            pltpu.sync_copy(gbuf.at[2], acc.at[pl.ds(s * rows_per_tile + b * K, K)])
        plsc.subcore_barrier()

        def _chunk(i, carry):
            q = lax.rem(i, 5)
            p = lax.rem(i, 4)
            q2 = lax.rem(i + 2, 5)
            p2 = lax.rem(i + 2, 4)

            @pl.when(i + 2 < chunks)
            def _start_gather_ahead():
                _idx_wait(i + 2, q2)
                _gather_start(i + 2, q2, p2)

            _gather_wait(i, q, p)

            @pl.when(i >= 1)
            def _drain_prev_scatter():
                _scatter_desc(lax.rem(i + 4, 5), lax.rem(i + 3, 4)).wait()

            _scatter_desc(q, p).start(add=True)

            @pl.when(i + 3 < chunks)
            def _prefetch_indices():
                _idx_start(i + 3, lax.rem(i + 3, 5))
            return carry
        lax.fori_loop(0, chunks, _chunk, 0)

        _scatter_desc((chunks - 1) % 5, (chunks - 1) % 4).wait()

        plsc.subcore_barrier()
        pltpu.sync_copy(
            acc.at[pl.ds(s * rows_per_tile, rows_per_tile)],
            out_hbm.at[c, pl.ds(s * rows_per_tile, rows_per_tile)],
        )

    return sc_scatter


def kernel(x, adj, weight, eps):
    n = x.shape[0]
    e = adj.shape[1]
    npad = ((n + NS * K - 1) // (NS * K)) * (NS * K)
    per_w = e // NW
    chunks = per_w // K
    assert per_w * NW == e and chunks * K == per_w

    wx = _matmul(x, weight)
    rc = adj.reshape(2, NW, chunks, K).transpose(1, 2, 0, 3)
    partial = _make_sc_scatter(npad, chunks)(wx, rc)
    return _combine(partial, wx, eps.reshape(1, 1))

# --- scband reference (transcript-rebuilt; emitter-appended) ---
"""Pipeline reference for scband-ginconv-47777216201069 (READ-ONLY COPY).

The authoritative reference and input builder live on the scoring server;
editing this copy changes nothing except your own understanding.
"""

import jax, jax.numpy as jnp
import numpy as np

N = 10000
E = 320000
D_IN = 128
D_OUT = 128


def setup_inputs(seed: int = 0) -> dict:
    key = jax.random.key(seed)
    k1, k2, k3 = jax.random.split(key, 3)
    x = jax.random.normal(k1, (N, D_IN), dtype=jnp.float32)
    # edge list standing in for data.adjmat.nonzero().t(): row 0 = dst rows, row 1 = src cols
    adj = jax.random.randint(k2, (2, E), 0, N, dtype=jnp.int32)
    # xavier_uniform with gain=1.414
    gain = 1.414
    limit = gain * float(np.sqrt(6.0 / (D_IN + D_OUT)))
    weight = jax.random.uniform(k3, (D_IN, D_OUT), minval=-limit, maxval=limit, dtype=jnp.float32)
    eps = jnp.zeros((1,), dtype=jnp.float32)  # eps.data.fill_(0)
    return {"x": x, "adj": adj, "weight": weight, "eps": eps}


def reference(x, adj, weight, eps):
    # wx = x @ W
    wx = jnp.matmul(x, weight)
    # spmm(ginadj, wx): out[i] = sum over edges (i, j) of wx[j]
    rows = adj[0]
    cols = adj[1]
    agg = jnp.zeros((N, D_OUT), dtype=wx.dtype).at[rows].add(wx[cols])
    # x = agg + eps * wx
    out = agg + eps * wx
    return out

if __name__ == "__main__":
    import jax
    _d = setup_inputs()
    print(jax.jit(kernel)(*tuple(_d.values())))

</pallas_src>

<mosaic_0001>
#map = affine_map<(d0, d1) -> (0, 0)>
#map1 = affine_map<(d0, d1) -> (0, 0, 0, 0)>
#map2 = affine_map<(d0, d1) -> (0, 0, 0)>
module attributes {stable_mosaic.version = 14 : i64} {
  func.func @sc_scatter(%arg0: i32, %arg1: i32, %arg2: memref<10000x128xf32, #tpu.memory_space<hbm>>, %arg3: memref<32x125x2x80xi32, #tpu.memory_space<hbm>>, %arg4: memref<2x10240x128xf32, #tpu.memory_space<hbm>>, %arg5: memref<5x2x80xi32, #tpu.memory_space<vmem>>, %arg6: memref<4x80x128xf32, #tpu.memory_space<vmem>>, %arg7: memref<10240x128xf32, #tpu.memory_space<vmem_shared>>, %arg8: memref<5x!tpu.dma_semaphore, #tpu.memory_space<semaphore_mem>>, %arg9: memref<4x!tpu.dma_semaphore, #tpu.memory_space<semaphore_mem>>, %arg10: memref<4x!tpu.dma_semaphore, #tpu.memory_space<semaphore_mem>>) attributes {dimension_semantics = [#tpu.dimension_semantics<core_parallel>, #tpu.dimension_semantics<subcore_parallel>], iteration_bounds = array<i64: 2, 16>, scalar_prefetch = 0 : i64, scratch_operands = 6 : i64, tpu.core_type = #tpu.core_type<sc_vector_subcore>, window_params = [{transform_indices = #map}, {transform_indices = #map1}, {transform_indices = #map2}]} {
    %mul3A = arith.constant 2 : i32
    %mul3A_0 = arith.muli %arg1, %mul3A : i32
    %add3A = arith.addi %mul3A_0, %arg0 : i32
    %dma_start3A = arith.constant 0 : i32
    %dma_start3A_1 = arith.constant 0 : i32
    %dma_start3A_2 = arith.constant 0 : i32
    %dma_start3A_3 = arith.constant 0 : i32
    %dma_start3A_4 = arith.constant 0 : i32
    %dma_start3A_5 = tpu.memref_slice %arg5[%dma_start3A_1, %dma_start3A_3, %dma_start3A_4] : memref<5x2x80xi32, #tpu.memory_space<vmem>> -> memref<1x2x80xi32, #tpu.memory_space<vmem>>
    %dma_start3A_6 = tpu.memref_squeeze %dma_start3A_5 : memref<1x2x80xi32, #tpu.memory_space<vmem>> -> memref<2x80xi32, #tpu.memory_space<vmem>>
    %dma_start3A_7 = arith.constant 0 : i32
    %dma_start3A_8 = arith.constant 0 : i32
    %dma_start3A_9 = tpu.memref_slice %arg3[%add3A, %dma_start3A, %dma_start3A_7, %dma_start3A_8] : memref<32x125x2x80xi32, #tpu.memory_space<hbm>> -> memref<1x1x2x80xi32, #tpu.memory_space<hbm>>
    %dma_start3A_10 = tpu.memref_squeeze %dma_start3A_9 : memref<1x1x2x80xi32, #tpu.memory_space<hbm>> -> memref<2x80xi32, #tpu.memory_space<hbm>>
    %dma_start3A_11 = tpu.memref_slice %arg8[%dma_start3A_2] : memref<5x!tpu.dma_semaphore, #tpu.memory_space<semaphore_mem>> -> memref<1x!tpu.dma_semaphore, #tpu.memory_space<semaphore_mem>>
    %dma_start3A_12 = tpu.memref_squeeze %dma_start3A_11 : memref<1x!tpu.dma_semaphore, #tpu.memory_space<semaphore_mem>> -> memref<!tpu.dma_semaphore, #tpu.memory_space<semaphore_mem>>
    %dma_start3A_13 = arith.constant 0 : i32
    %dma_start3A_14 = arith.constant 0 : i32
    %dma_start3A_15 = tpu.memref_slice %arg5[%dma_start3A_1, %dma_start3A_13, %dma_start3A_14] : memref<5x2x80xi32, #tpu.memory_space<vmem>> -> memref<1x2x80xi32, #tpu.memory_space<vmem>>
    %dma_start3A_16 = tpu.memref_squeeze %dma_start3A_15 : memref<1x2x80xi32, #tpu.memory_space<vmem>> -> memref<2x80xi32, #tpu.memory_space<vmem>>
    %dma_start3A_17 = arith.constant 0 : i32
    %dma_start3A_18 = arith.constant 0 : i32
    %dma_start3A_19 = tpu.memref_slice %arg3[%add3A, %dma_start3A, %dma_start3A_17, %dma_start3A_18] : memref<32x125x2x80xi32, #tpu.memory_space<hbm>> -> memref<1x1x2x80xi32, #tpu.memory_space<hbm>>
    %dma_start3A_20 = tpu.memref_squeeze %dma_start3A_19 : memref<1x1x2x80xi32, #tpu.memory_space<hbm>> -> memref<2x80xi32, #tpu.memory_space<hbm>>
    tpu.enqueue_dma source(%dma_start3A_20 : memref<2x80xi32, #tpu.memory_space<hbm>>) target(%dma_start3A_16 : memref<2x80xi32, #tpu.memory_space<vmem>>) target_semaphore(%dma_start3A_12 : memref<!tpu.dma_semaphore, #tpu.memory_space<semaphore_mem>>)
    %dma_start3A_21 = arith.constant 1 : i32
    %dma_start3A_22 = arith.constant 1 : i32
    %dma_start3A_23 = arith.constant 1 : i32
    %dma_start3A_24 = arith.constant 0 : i32
    %dma_start3A_25 = arith.constant 0 : i32
    %dma_start3A_26 = tpu.memref_slice %arg5[%dma_start3A_22, %dma_start3A_24, %dma_start3A_25] : memref<5x2x80xi32, #tpu.memory_space<vmem>> -> memref<1x2x80xi32, #tpu.memory_space<vmem>>
    %dma_start3A_27 = tpu.memref_squeeze %dma_start3A_26 : memref<1x2x80xi32, #tpu.memory_space<vmem>> -> memref<2x80xi32, #tpu.memory_space<vmem>>
    %dma_start3A_28 = arith.constant 0 : i32
    %dma_start3A_29 = arith.constant 0 : i32
    %dma_start3A_30 = tpu.memref_slice %arg3[%add3A, %dma_start3A_21, %dma_start3A_28, %dma_start3A_29] : memref<32x125x2x80xi32, #tpu.memory_space<hbm>> -> memref<1x1x2x80xi32, #tpu.memory_space<hbm>>
    %dma_start3A_31 = tpu.memref_squeeze %dma_start3A_30 : memref<1x1x2x80xi32, #tpu.memory_space<hbm>> -> memref<2x80xi32, #tpu.memory_space<hbm>>
    %dma_start3A_32 = tpu.memref_slice %arg8[%dma_start3A_23] : memref<5x!tpu.dma_semaphore, #tpu.memory_space<semaphore_mem>> -> memref<1x!tpu.dma_semaphore, #tpu.memory_space<semaphore_mem>>
    %dma_start3A_33 = tpu.memref_squeeze %dma_start3A_32 : memref<1x!tpu.dma_semaphore, #tpu.memory_space<semaphore_mem>> -> memref<!tpu.dma_semaphore, #tpu.memory_space<semaphore_mem>>
    %dma_start3A_34 = arith.constant 0 : i32
    %dma_start3A_35 = arith.constant 0 : i32
    %dma_start3A_36 = tpu.memref_slice %arg5[%dma_start3A_22, %dma_start3A_34, %dma_start3A_35] : memref<5x2x80xi32, #tpu.memory_space<vmem>> -> memref<1x2x80xi32, #tpu.memory_space<vmem>>
    %dma_start3A_37 = tpu.memref_squeeze %dma_start3A_36 : memref<1x2x80xi32, #tpu.memory_space<vmem>> -> memref<2x80xi32, #tpu.memory_space<vmem>>
    %dma_start3A_38 = arith.constant 0 : i32
    %dma_start3A_39 = arith.constant 0 : i32
    %dma_start3A_40 = tpu.memref_slice %arg3[%add3A, %dma_start3A_21, %dma_start3A_38, %dma_start3A_39] : memref<32x125x2x80xi32, #tpu.memory_space<hbm>> -> memref<1x1x2x80xi32, #tpu.memory_space<hbm>>
    %dma_start3A_41 = tpu.memref_squeeze %dma_start3A_40 : memref<1x1x2x80xi32, #tpu.memory_space<hbm>> -> memref<2x80xi32, #tpu.memory_space<hbm>>
    tpu.enqueue_dma source(%dma_start3A_41 : memref<2x80xi32, #tpu.memory_space<hbm>>) target(%dma_start3A_37 : memref<2x80xi32, #tpu.memory_space<vmem>>) target_semaphore(%dma_start3A_33 : memref<!tpu.dma_semaphore, #tpu.memory_space<semaphore_mem>>)
    %dma_wait3A = arith.constant 0 : i32
    %dma_wait3A_42 = arith.constant 0 : i32
    %dma_wait3A_43 = arith.constant 0 : i32
    %dma_wait3A_44 = arith.constant 0 : i32
    %dma_wait3A_45 = arith.constant 0 : i32
    %dma_wait3A_46 = tpu.memref_slice %arg5[%dma_wait3A_42, %dma_wait3A_44, %dma_wait3A_45] : memref<5x2x80xi32, #tpu.memory_space<vmem>> -> memref<1x2x80xi32, #tpu.memory_space<vmem>>
    %dma_wait3A_47 = tpu.memref_squeeze %dma_wait3A_46 : memref<1x2x80xi32, #tpu.memory_space<vmem>> -> memref<2x80xi32, #tpu.memory_space<vmem>>
    %dma_wait3A_48 = arith.constant 0 : i32
    %dma_wait3A_49 = arith.constant 0 : i32
    %dma_wait3A_50 = tpu.memref_slice %arg3[%add3A, %dma_wait3A, %dma_wait3A_48, %dma_wait3A_49] : memref<32x125x2x80xi32, #tpu.memory_space<hbm>> -> memref<1x1x2x80xi32, #tpu.memory_space<hbm>>
    %dma_wait3A_51 = tpu.memref_squeeze %dma_wait3A_50 : memref<1x1x2x80xi32, #tpu.memory_space<hbm>> -> memref<2x80xi32, #tpu.memory_space<hbm>>
    %dma_wait3A_52 = tpu.memref_slice %arg8[%dma_wait3A_43] : memref<5x!tpu.dma_semaphore, #tpu.memory_space<semaphore_mem>> -> memref<1x!tpu.dma_semaphore, #tpu.memory_space<semaphore_mem>>
    %dma_wait3A_53 = tpu.memref_squeeze %dma_wait3A_52 : memref<1x!tpu.dma_semaphore, #tpu.memory_space<semaphore_mem>> -> memref<!tpu.dma_semaphore, #tpu.memory_space<semaphore_mem>>
    %dma_wait3A_54 = arith.constant 0 : i32
    %dma_wait3A_55 = arith.constant 0 : i32
    %dma_wait3A_56 = tpu.memref_slice %arg5[%dma_wait3A_42, %dma_wait3A_54, %dma_wait3A_55] : memref<5x2x80xi32, #tpu.memory_space<vmem>> -> memref<1x2x80xi32, #tpu.memory_space<vmem>>
    %dma_wait3A_57 = tpu.memref_squeeze %dma_wait3A_56 : memref<1x2x80xi32, #tpu.memory_space<vmem>> -> memref<2x80xi32, #tpu.memory_space<vmem>>
    %dma_wait3A_58 = arith.constant 0 : i32
    %dma_wait3A_59 = arith.constant 0 : i32
    %dma_wait3A_60 = tpu.memref_slice %arg3[%add3A, %dma_wait3A, %dma_wait3A_58, %dma_wait3A_59] : memref<32x125x2x80xi32, #tpu.memory_space<hbm>> -> memref<1x1x2x80xi32, #tpu.memory_space<hbm>>
    %dma_wait3A_61 = tpu.memref_squeeze %dma_wait3A_60 : memref<1x1x2x80xi32, #tpu.memory_space<hbm>> -> memref<2x80xi32, #tpu.memory_space<hbm>>
    tpu.wait_dma2 semaphore(%dma_wait3A_53 : memref<!tpu.dma_semaphore, #tpu.memory_space<semaphore_mem>>) src(%dma_wait3A_61 : memref<2x80xi32, #tpu.memory_space<hbm>>) dst(%dma_wait3A_57 : memref<2x80xi32, #tpu.memory_space<vmem>>)
    %dma_start3A_62 = arith.constant 0 : i32
    %dma_start3A_63 = arith.constant 1 : i32
    %dma_start3A_64 = arith.constant 0 : i32
    %dma_start3A_65 = arith.constant 0 : i32
    %dma_start3A_66 = arith.constant 0 : i32
    %dma_start3A_67 = arith.constant 0 : i32
    %dma_start3A_68 = tpu.memref_slice %arg6[%dma_start3A_64, %dma_start3A_66, %dma_start3A_67] : memref<4x80x128xf32, #tpu.memory_space<vmem>> -> memref<1x80x128xf32, #tpu.memory_space<vmem>>
    %dma_start3A_69 = tpu.memref_squeeze %dma_start3A_68 : memref<1x80x128xf32, #tpu.memory_space<vmem>> -> memref<80x128xf32, #tpu.memory_space<vmem>>
    %dma_start3A_70 = arith.constant 0 : i32
    %dma_start3A_71 = tpu.memref_slice %arg5[%dma_start3A_62, %dma_start3A_63, %dma_start3A_70] : memref<5x2x80xi32, #tpu.memory_space<vmem>> -> memref<1x1x80xi32, #tpu.memory_space<vmem>>
    %dma_start3A_72 = tpu.memref_squeeze %dma_start3A_71 : memref<1x1x80xi32, #tpu.memory_space<vmem>> -> memref<80xi32, #tpu.memory_space<vmem>>
    %dma_start3A_73 = arith.constant 0 : i32
    %dma_start3A_74 = arith.constant 0 : i32
    %dma_start3A_75 = tpu.memref_slice %arg2[%dma_start3A_73, %dma_start3A_74] : memref<10000x128xf32, #tpu.memory_space<hbm>> -> memref<10000x128xf32, #tpu.memory_space<hbm>>
    %dma_start3A_76 = tpu.memref_slice %arg9[%dma_start3A_65] : memref<4x!tpu.dma_semaphore, #tpu.memory_space<semaphore_mem>> -> memref<1x!tpu.dma_semaphore, #tpu.memory_space<semaphore_mem>>
    %dma_start3A_77 = tpu.memref_squeeze %dma_start3A_76 : memref<1x!tpu.dma_semaphore, #tpu.memory_space<semaphore_mem>> -> memref<!tpu.dma_semaphore, #tpu.memory_space<semaphore_mem>>
    tpu.enqueue_indirect_dma source(%dma_start3A_75 : memref<10000x128xf32, #tpu.memory_space<hbm>>) target(%dma_start3A_69 : memref<80x128xf32, #tpu.memory_space<vmem>>) offsets(%dma_start3A_72 : memref<80xi32, #tpu.memory_space<vmem>>) semaphore(%dma_start3A_77 : memref<!tpu.dma_semaphore, #tpu.memory_space<semaphore_mem>>)
    %dma_wait3A_78 = arith.constant 1 : i32
    %dma_wait3A_79 = arith.constant 1 : i32
    %dma_wait3A_80 = arith.constant 1 : i32
    %dma_wait3A_81 = arith.constant 0 : i32
    %dma_wait3A_82 = arith.constant 0 : i32
    %dma_wait3A_83 = tpu.memref_slice %arg5[%dma_wait3A_79, %dma_wait3A_81, %dma_wait3A_82] : memref<5x2x80xi32, #tpu.memory_space<vmem>> -> memref<1x2x80xi32, #tpu.memory_space<vmem>>
    %dma_wait3A_84 = tpu.memref_squeeze %dma_wait3A_83 : memref<1x2x80xi32, #tpu.memory_space<vmem>> -> memref<2x80xi32, #tpu.memory_space<vmem>>
    %dma_wait3A_85 = arith.constant 0 : i32
    %dma_wait3A_86 = arith.constant 0 : i32
    %dma_wait3A_87 = tpu.memref_slice %arg3[%add3A, %dma_wait3A_78, %dma_wait3A_85, %dma_wait3A_86] : memref<32x125x2x80xi32, #tpu.memory_space<hbm>> -> memref<1x1x2x80xi32, #tpu.memory_space<hbm>>
    %dma_wait3A_88 = tpu.memref_squeeze %dma_wait3A_87 : memref<1x1x2x80xi32, #tpu.memory_space<hbm>> -> memref<2x80xi32, #tpu.memory_space<hbm>>
    %dma_wait3A_89 = tpu.memref_slice %arg8[%dma_wait3A_80] : memref<5x!tpu.dma_semaphore, #tpu.memory_space<semaphore_mem>> -> memref<1x!tpu.dma_semaphore, #tpu.memory_space<semaphore_mem>>
    %dma_wait3A_90 = tpu.memref_squeeze %dma_wait3A_89 : memref<1x!tpu.dma_semaphore, #tpu.memory_space<semaphore_mem>> -> memref<!tpu.dma_semaphore, #tpu.memory_space<semaphore_mem>>
    %dma_wait3A_91 = arith.constant 0 : i32
    %dma_wait3A_92 = arith.constant 0 : i32
    %dma_wait3A_93 = tpu.memref_slice %arg5[%dma_wait3A_79, %dma_wait3A_91, %dma_wait3A_92] : memref<5x2x80xi32, #tpu.memory_space<vmem>> -> memref<1x2x80xi32, #tpu.memory_space<vmem>>
    %dma_wait3A_94 = tpu.memref_squeeze %dma_wait3A_93 : memref<1x2x80xi32, #tpu.memory_space<vmem>> -> memref<2x80xi32, #tpu.memory_space<vmem>>
    %dma_wait3A_95 = arith.constant 0 : i32
    %dma_wait3A_96 = arith.constant 0 : i32
    %dma_wait3A_97 = tpu.memref_slice %arg3[%add3A, %dma_wait3A_78, %dma_wait3A_95, %dma_wait3A_96] : memref<32x125x2x80xi32, #tpu.memory_space<hbm>> -> memref<1x1x2x80xi32, #tpu.memory_space<hbm>>
    %dma_wait3A_98 = tpu.memref_squeeze %dma_wait3A_97 : memref<1x1x2x80xi32, #tpu.memory_space<hbm>> -> memref<2x80xi32, #tpu.memory_space<hbm>>
    tpu.wait_dma2 semaphore(%dma_wait3A_90 : memref<!tpu.dma_semaphore, #tpu.memory_space<semaphore_mem>>) src(%dma_wait3A_98 : memref<2x80xi32, #tpu.memory_space<hbm>>) dst(%dma_wait3A_94 : memref<2x80xi32, #tpu.memory_space<vmem>>)
    %dma_start3A_99 = arith.constant 1 : i32
    %dma_start3A_100 = arith.constant 1 : i32
    %dma_start3A_101 = arith.constant 1 : i32
    %dma_start3A_102 = arith.constant 1 : i32
    %dma_start3A_103 = arith.constant 0 : i32
    %dma_start3A_104 = arith.constant 0 : i32
    %dma_start3A_105 = tpu.memref_slice %arg6[%dma_start3A_101, %dma_start3A_103, %dma_start3A_104] : memref<4x80x128xf32, #tpu.memory_space<vmem>> -> memref<1x80x128xf32, #tpu.memory_space<vmem>>
    %dma_start3A_106 = tpu.memref_squeeze %dma_start3A_105 : memref<1x80x128xf32, #tpu.memory_space<vmem>> -> memref<80x128xf32, #tpu.memory_space<vmem>>
    %dma_start3A_107 = arith.constant 0 : i32
    %dma_start3A_108 = tpu.memref_slice %arg5[%dma_start3A_99, %dma_start3A_100, %dma_start3A_107] : memref<5x2x80xi32, #tpu.memory_space<vmem>> -> memref<1x1x80xi32, #tpu.memory_space<vmem>>
    %dma_start3A_109 = tpu.memref_squeeze %dma_start3A_108 : memref<1x1x80xi32, #tpu.memory_space<vmem>> -> memref<80xi32, #tpu.memory_space<vmem>>
    %dma_start3A_110 = arith.constant 0 : i32
    %dma_start3A_111 = arith.constant 0 : i32
    %dma_start3A_112 = tpu.memref_slice %arg2[%dma_start3A_110, %dma_start3A_111] : memref<10000x128xf32, #tpu.memory_space<hbm>> -> memref<10000x128xf32, #tpu.memory_space<hbm>>
    %dma_start3A_113 = tpu.memref_slice %arg9[%dma_start3A_102] : memref<4x!tpu.dma_semaphore, #tpu.memory_space<semaphore_mem>> -> memref<1x!tpu.dma_semaphore, #tpu.memory_space<semaphore_mem>>
    %dma_start3A_114 = tpu.memref_squeeze %dma_start3A_113 : memref<1x!tpu.dma_semaphore, #tpu.memory_space<semaphore_mem>> -> memref<!tpu.dma_semaphore, #tpu.memory_space<semaphore_mem>>
    tpu.enqueue_indirect_dma source(%dma_start3A_112 : memref<10000x128xf32, #tpu.memory_space<hbm>>) target(%dma_start3A_106 : memref<80x128xf32, #tpu.memory_space<vmem>>) offsets(%dma_start3A_109 : memref<80xi32, #tpu.memory_space<vmem>>) semaphore(%dma_start3A_114 : memref<!tpu.dma_semaphore, #tpu.memory_space<semaphore_mem>>)
    %dma_start3A_115 = arith.constant 2 : i32
    %dma_start3A_116 = arith.constant 2 : i32
    %dma_start3A_117 = arith.constant 2 : i32
    %dma_start3A_118 = arith.constant 0 : i32
    %dma_start3A_119 = arith.constant 0 : i32
    %dma_start3A_120 = tpu.memref_slice %arg5[%dma_start3A_116, %dma_start3A_118, %dma_start3A_119] : memref<5x2x80xi32, #tpu.memory_space<vmem>> -> memref<1x2x80xi32, #tpu.memory_space<vmem>>
    %dma_start3A_121 = tpu.memref_squeeze %dma_start3A_120 : memref<1x2x80xi32, #tpu.memory_space<vmem>> -> memref<2x80xi32, #tpu.memory_space<vmem>>
    %dma_start3A_122 = arith.constant 0 : i32
    %dma_start3A_123 = arith.constant 0 : i32
    %dma_start3A_124 = tpu.memref_slice %arg3[%add3A, %dma_start3A_115, %dma_start3A_122, %dma_start3A_123] : memref<32x125x2x80xi32, #tpu.memory_space<hbm>> -> memref<1x1x2x80xi32, #tpu.memory_space<hbm>>
    %dma_start3A_125 = tpu.memref_squeeze %dma_start3A_124 : memref<1x1x2x80xi32, #tpu.memory_space<hbm>> -> memref<2x80xi32, #tpu.memory_space<hbm>>
    %dma_start3A_126 = tpu.memref_slice %arg8[%dma_start3A_117] : memref<5x!tpu.dma_semaphore, #tpu.memory_space<semaphore_mem>> -> memref<1x!tpu.dma_semaphore, #tpu.memory_space<semaphore_mem>>
    %dma_start3A_127 = tpu.memref_squeeze %dma_start3A_126 : memref<1x!tpu.dma_semaphore, #tpu.memory_space<semaphore_mem>> -> memref<!tpu.dma_semaphore, #tpu.memory_space<semaphore_mem>>
    %dma_start3A_128 = arith.constant 0 : i32
    %dma_start3A_129 = arith.constant 0 : i32
    %dma_start3A_130 = tpu.memref_slice %arg5[%dma_start3A_116, %dma_start3A_128, %dma_start3A_129] : memref<5x2x80xi32, #tpu.memory_space<vmem>> -> memref<1x2x80xi32, #tpu.memory_space<vmem>>
    %dma_start3A_131 = tpu.memref_squeeze %dma_start3A_130 : memref<1x2x80xi32, #tpu.memory_space<vmem>> -> memref<2x80xi32, #tpu.memory_space<vmem>>
    %dma_start3A_132 = arith.constant 0 : i32
    %dma_start3A_133 = arith.constant 0 : i32
    %dma_start3A_134 = tpu.memref_slice %arg3[%add3A, %dma_start3A_115, %dma_start3A_132, %dma_start3A_133] : memref<32x125x2x80xi32, #tpu.memory_space<hbm>> -> memref<1x1x2x80xi32, #tpu.memory_space<hbm>>
    %dma_start3A_135 = tpu.memref_squeeze %dma_start3A_134 : memref<1x1x2x80xi32, #tpu.memory_space<hbm>> -> memref<2x80xi32, #tpu.memory_space<hbm>>
    tpu.enqueue_dma source(%dma_start3A_135 : memref<2x80xi32, #tpu.memory_space<hbm>>) target(%dma_start3A_131 : memref<2x80xi32, #tpu.memory_space<vmem>>) target_semaphore(%dma_start3A_127 : memref<!tpu.dma_semaphore, #tpu.memory_space<semaphore_mem>>)
    %scan3A = arith.constant 0 : i32
    %scan3A_136 = arith.constant 0 : i32
    %scan3A_137 = arith.constant 80 : i32
    %scan3A_138 = arith.addi %scan3A_136, %scan3A_137 : i32
    %scan3A_139 = arith.constant 1 : i32
    scf.for %scan3A_207 = %scan3A_136 to %scan3A_138 step %scan3A_139  : i32 {
      %scan3A_208 = arith.constant 0 : i32
      %scan3A_209 = arith.constant 8 : i32
      %scan3A_210 = arith.addi %scan3A_208, %scan3A_209 : i32
      %scan3A_211 = arith.constant 1 : i32
      scf.for %scan3A_213 = %scan3A_208 to %scan3A_210 step %scan3A_211  : i32 {
        %broadcast_in_dim3A = arith.constant 0.000000e+00 : f32
        %broadcast_in_dim3A_214 = vector.broadcast %broadcast_in_dim3A : f32 to vector<16xf32>
        %mul3A_215 = arith.constant 16 : i32
        %mul3A_216 = arith.muli %scan3A_213, %mul3A_215 : i32
        %swap3A = arith.constant 2 : i32
        %swap3A_217 = arith.index_cast %swap3A : i32 to index
        %swap3A_218 = arith.index_cast %scan3A_207 : i32 to index
        %swap3A_219 = arith.index_cast %mul3A_216 : i32 to index
        %swap3A_220 = tpu.vector_load %arg6[%swap3A_217, %swap3A_218, %swap3A_219] {strides = array<i32>} : memref<4x80x128xf32, #tpu.memory_space<vmem>>, vector<1x1x16xf32>,
        %swap3A_221 = vector.shape_cast %swap3A_220 : vector<1x1x16xf32> to vector<16xf32>
        %swap3A_222 = vector.shape_cast %broadcast_in_dim3A_214 : vector<16xf32> to vector<1x1x16xf32>
        tpu.vector_store %arg6[%swap3A_217, %swap3A_218, %swap3A_219], %swap3A_222 {strides = array<i32>} : memref<4x80x128xf32, #tpu.memory_space<vmem>>, vector<1x1x16xf32>,
      }
      %scan3A_212 = arith.constant 8 : i32
    }
    %scan3A_140 = arith.constant 80 : i32
    %mul3A_141 = arith.constant 640 : i32
    %mul3A_142 = arith.muli %arg1, %mul3A_141 : i32
    %add3A_143 = arith.constant 0 : i32
    %add3A_144 = arith.addi %mul3A_142, %add3A_143 : i32
    %run_scoped3A = arith.constant 2 : i32
    "tpu.region"() ({
      %run_scoped3A_207 = tpu.sem_alloc : memref<!tpu.dma_semaphore, #tpu.memory_space<semaphore_mem>>
      %dma_start3A_208 = arith.constant 0 : i32
      %dma_start3A_209 = arith.constant 0 : i32
      %dma_start3A_210 = tpu.memref_slice %arg6[%run_scoped3A, %dma_start3A_208, %dma_start3A_209] : memref<4x80x128xf32, #tpu.memory_space<vmem>> -> memref<1x80x128xf32, #tpu.memory_space<vmem>>
      %dma_start3A_211 = tpu.memref_squeeze %dma_start3A_210 : memref<1x80x128xf32, #tpu.memory_space<vmem>> -> memref<80x128xf32, #tpu.memory_space<vmem>>
      %dma_start3A_212 = arith.constant 0 : i32
      %dma_start3A_213 = tpu.memref_slice %arg7[%add3A_144, %dma_start3A_212] : memref<10240x128xf32, #tpu.memory_space<vmem_shared>> -> memref<80x128xf32, #tpu.memory_space<vmem_shared>>
      %dma_start3A_214 = arith.constant 0 : i32
      %dma_start3A_215 = tpu.memref_slice %arg7[%add3A_144, %dma_start3A_214] : memref<10240x128xf32, #tpu.memory_space<vmem_shared>> -> memref<80x128xf32, #tpu.memory_space<vmem_shared>>
      %dma_start3A_216 = arith.constant 0 : i32
      %dma_start3A_217 = arith.constant 0 : i32
      %dma_start3A_218 = tpu.memref_slice %arg6[%run_scoped3A, %dma_start3A_216, %dma_start3A_217] : memref<4x80x128xf32, #tpu.memory_space<vmem>> -> memref<1x80x128xf32, #tpu.memory_space<vmem>>
      %dma_start3A_219 = tpu.memref_squeeze %dma_start3A_218 : memref<1x80x128xf32, #tpu.memory_space<vmem>> -> memref<80x128xf32, #tpu.memory_space<vmem>>
      tpu.enqueue_dma source(%dma_start3A_219 : memref<80x128xf32, #tpu.memory_space<vmem>>) target(%dma_start3A_215 : memref<80x128xf32, #tpu.memory_space<vmem_shared>>) target_semaphore(%run_scoped3A_207 : memref<!tpu.dma_semaphore, #tpu.memory_space<semaphore_mem>>)
      %dma_wait3A_220 = arith.constant 0 : i32
      %dma_wait3A_221 = arith.constant 0 : i32
      %dma_wait3A_222 = tpu.memref_slice %arg6[%run_scoped3A, %dma_wait3A_220, %dma_wait3A_221] : memref<4x80x128xf32, #tpu.memory_space<vmem>> -> memref<1x80x128xf32, #tpu.memory_space<vmem>>
      %dma_wait3A_223 = tpu.memref_squeeze %dma_wait3A_222 : memref<1x80x128xf32, #tpu.memory_space<vmem>> -> memref<80x128xf32, #tpu.memory_space<vmem>>
      %dma_wait3A_224 = arith.constant 0 : i32
      %dma_wait3A_225 = tpu.memref_slice %arg7[%add3A_144, %dma_wait3A_224] : memref<10240x128xf32, #tpu.memory_space<vmem_shared>> -> memref<80x128xf32, #tpu.memory_space<vmem_shared>>
      %dma_wait3A_226 = arith.constant 0 : i32
      %dma_wait3A_227 = tpu.memref_slice %arg7[%add3A_144, %dma_wait3A_226] : memref<10240x128xf32, #tpu.memory_space<vmem_shared>> -> memref<80x128xf32, #tpu.memory_space<vmem_shared>>
      %dma_wait3A_228 = arith.constant 0 : i32
      %dma_wait3A_229 = arith.constant 0 : i32
      %dma_wait3A_230 = tpu.memref_slice %arg6[%run_scoped3A, %dma_wait3A_228, %dma_wait3A_229] : memref<4x80x128xf32, #tpu.memory_space<vmem>> -> memref<1x80x128xf32, #tpu.memory_space<vmem>>
      %dma_wait3A_231 = tpu.memref_squeeze %dma_wait3A_230 : memref<1x80x128xf32, #tpu.memory_space<vmem>> -> memref<80x128xf32, #tpu.memory_space<vmem>>
      tpu.wait_dma2 semaphore(%run_scoped3A_207 : memref<!tpu.dma_semaphore, #tpu.memory_space<semaphore_mem>>) src(%dma_wait3A_231 : memref<80x128xf32, #tpu.memory_space<vmem>>) dst(%dma_wait3A_227 : memref<80x128xf32, #tpu.memory_space<vmem_shared>>)
      tpu.yield
    }) : () -> ()
    %mul3A_145 = arith.constant 640 : i32
    %mul3A_146 = arith.muli %arg1, %mul3A_145 : i32
    %add3A_147 = arith.constant 80 : i32
    %add3A_148 = arith.addi %mul3A_146, %add3A_147 : i32
    %run_scoped3A_149 = arith.constant 2 : i32
    "tpu.region"() ({
      %run_scoped3A_207 = tpu.sem_alloc : memref<!tpu.dma_semaphore, #tpu.memory_space<semaphore_mem>>
      %dma_start3A_208 = arith.constant 0 : i32
      %dma_start3A_209 = arith.constant 0 : i32
      %dma_start3A_210 = tpu.memref_slice %arg6[%run_scoped3A_149, %dma_start3A_208, %dma_start3A_209] : memref<4x80x128xf32, #tpu.memory_space<vmem>> -> memref<1x80x128xf32, #tpu.memory_space<vmem>>
      %dma_start3A_211 = tpu.memref_squeeze %dma_start3A_210 : memref<1x80x128xf32, #tpu.memory_space<vmem>> -> memref<80x128xf32, #tpu.memory_space<vmem>>
      %dma_start3A_212 = arith.constant 0 : i32
      %dma_start3A_213 = tpu.memref_slice %arg7[%add3A_148, %dma_start3A_212] : memref<10240x128xf32, #tpu.memory_space<vmem_shared>> -> memref<80x128xf32, #tpu.memory_space<vmem_shared>>
      %dma_start3A_214 = arith.constant 0 : i32
      %dma_start3A_215 = tpu.memref_slice %arg7[%add3A_148, %dma_start3A_214] : memref<10240x128xf32, #tpu.memory_space<vmem_shared>> -> memref<80x128xf32, #tpu.memory_space<vmem_shared>>
      %dma_start3A_216 = arith.constant 0 : i32
      %dma_start3A_217 = arith.constant 0 : i32
      %dma_start3A_218 = tpu.memref_slice %arg6[%run_scoped3A_149, %dma_start3A_216, %dma_start3A_217] : memref<4x80x128xf32, #tpu.memory_space<vmem>> -> memref<1x80x128xf32, #tpu.memory_space<vmem>>
      %dma_start3A_219 = tpu.memref_squeeze %dma_start3A_218 : memref<1x80x128xf32, #tpu.memory_space<vmem>> -> memref<80x128xf32, #tpu.memory_space<vmem>>
      tpu.enqueue_dma source(%dma_start3A_219 : memref<80x128xf32, #tpu.memory_space<vmem>>) target(%dma_start3A_215 : memref<80x128xf32, #tpu.memory_space<vmem_shared>>) target_semaphore(%run_scoped3A_207 : memref<!tpu.dma_semaphore, #tpu.memory_space<semaphore_mem>>)
      %dma_wait3A_220 = arith.constant 0 : i32
      %dma_wait3A_221 = arith.constant 0 : i32
      %dma_wait3A_222 = tpu.memref_slice %arg6[%run_scoped3A_149, %dma_wait3A_220, %dma_wait3A_221] : memref<4x80x128xf32, #tpu.memory_space<vmem>> -> memref<1x80x128xf32, #tpu.memory_space<vmem>>
      %dma_wait3A_223 = tpu.memref_squeeze %dma_wait3A_222 : memref<1x80x128xf32, #tpu.memory_space<vmem>> -> memref<80x128xf32, #tpu.memory_space<vmem>>
      %dma_wait3A_224 = arith.constant 0 : i32
      %dma_wait3A_225 = tpu.memref_slice %arg7[%add3A_148, %dma_wait3A_224] : memref<10240x128xf32, #tpu.memory_space<vmem_shared>> -> memref<80x128xf32, #tpu.memory_space<vmem_shared>>
      %dma_wait3A_226 = arith.constant 0 : i32
      %dma_wait3A_227 = tpu.memref_slice %arg7[%add3A_148, %dma_wait3A_226] : memref<10240x128xf32, #tpu.memory_space<vmem_shared>> -> memref<80x128xf32, #tpu.memory_space<vmem_shared>>
      %dma_wait3A_228 = arith.constant 0 : i32
      %dma_wait3A_229 = arith.constant 0 : i32
      %dma_wait3A_230 = tpu.memref_slice %arg6[%run_scoped3A_149, %dma_wait3A_228, %dma_wait3A_229] : memref<4x80x128xf32, #tpu.memory_space<vmem>> -> memref<1x80x128xf32, #tpu.memory_space<vmem>>
      %dma_wait3A_231 = tpu.memref_squeeze %dma_wait3A_230 : memref<1x80x128xf32, #tpu.memory_space<vmem>> -> memref<80x128xf32, #tpu.memory_space<vmem>>
      tpu.wait_dma2 semaphore(%run_scoped3A_207 : memref<!tpu.dma_semaphore, #tpu.memory_space<semaphore_mem>>) src(%dma_wait3A_231 : memref<80x128xf32, #tpu.memory_space<vmem>>) dst(%dma_wait3A_227 : memref<80x128xf32, #tpu.memory_space<vmem_shared>>)
      tpu.yield
    }) : () -> ()
    %mul3A_150 = arith.constant 640 : i32
    %mul3A_151 = arith.muli %arg1, %mul3A_150 : i32
    %add3A_152 = arith.constant 160 : i32
    %add3A_153 = arith.addi %mul3A_151, %add3A_152 : i32
    %run_scoped3A_154 = arith.constant 2 : i32
    "tpu.region"() ({
      %run_scoped3A_207 = tpu.sem_alloc : memref<!tpu.dma_semaphore, #tpu.memory_space<semaphore_mem>>
      %dma_start3A_208 = arith.constant 0 : i32
      %dma_start3A_209 = arith.constant 0 : i32
      %dma_start3A_210 = tpu.memref_slice %arg6[%run_scoped3A_154, %dma_start3A_208, %dma_start3A_209] : memref<4x80x128xf32, #tpu.memory_space<vmem>> -> memref<1x80x128xf32, #tpu.memory_space<vmem>>
      %dma_start3A_211 = tpu.memref_squeeze %dma_start3A_210 : memref<1x80x128xf32, #tpu.memory_space<vmem>> -> memref<80x128xf32, #tpu.memory_space<vmem>>
      %dma_start3A_212 = arith.constant 0 : i32
      %dma_start3A_213 = tpu.memref_slice %arg7[%add3A_153, %dma_start3A_212] : memref<10240x128xf32, #tpu.memory_space<vmem_shared>> -> memref<80x128xf32, #tpu.memory_space<vmem_shared>>
      %dma_start3A_214 = arith.constant 0 : i32
      %dma_start3A_215 = tpu.memref_slice %arg7[%add3A_153, %dma_start3A_214] : memref<10240x128xf32, #tpu.memory_space<vmem_shared>> -> memref<80x128xf32, #tpu.memory_space<vmem_shared>>
      %dma_start3A_216 = arith.constant 0 : i32
      %dma_start3A_217 = arith.constant 0 : i32
      %dma_start3A_218 = tpu.memref_slice %arg6[%run_scoped3A_154, %dma_start3A_216, %dma_start3A_217] : memref<4x80x128xf32, #tpu.memory_space<vmem>> -> memref<1x80x128xf32, #tpu.memory_space<vmem>>
      %dma_start3A_219 = tpu.memref_squeeze %dma_start3A_218 : memref<1x80x128xf32, #tpu.memory_space<vmem>> -> memref<80x128xf32, #tpu.memory_space<vmem>>
      tpu.enqueue_dma source(%dma_start3A_219 : memref<80x128xf32, #tpu.memory_space<vmem>>) target(%dma_start3A_215 : memref<80x128xf32, #tpu.memory_space<vmem_shared>>) target_semaphore(%run_scoped3A_207 : memref<!tpu.dma_semaphore, #tpu.memory_space<semaphore_mem>>)
      %dma_wait3A_220 = arith.constant 0 : i32
      %dma_wait3A_221 = arith.constant 0 : i32
      %dma_wait3A_222 = tpu.memref_slice %arg6[%run_scoped3A_154, %dma_wait3A_220, %dma_wait3A_221] : memref<4x80x128xf32, #tpu.memory_space<vmem>> -> memref<1x80x128xf32, #tpu.memory_space<vmem>>
      %dma_wait3A_223 = tpu.memref_squeeze %dma_wait3A_222 : memref<1x80x128xf32, #tpu.memory_space<vmem>> -> memref<80x128xf32, #tpu.memory_space<vmem>>
      %dma_wait3A_224 = arith.constant 0 : i32
      %dma_wait3A_225 = tpu.memref_slice %arg7[%add3A_153, %dma_wait3A_224] : memref<10240x128xf32, #tpu.memory_space<vmem_shared>> -> memref<80x128xf32, #tpu.memory_space<vmem_shared>>
      %dma_wait3A_226 = arith.constant 0 : i32
      %dma_wait3A_227 = tpu.memref_slice %arg7[%add3A_153, %dma_wait3A_226] : memref<10240x128xf32, #tpu.memory_space<vmem_shared>> -> memref<80x128xf32, #tpu.memory_space<vmem_shared>>
      %dma_wait3A_228 = arith.constant 0 : i32
      %dma_wait3A_229 = arith.constant 0 : i32
      %dma_wait3A_230 = tpu.memref_slice %arg6[%run_scoped3A_154, %dma_wait3A_228, %dma_wait3A_229] : memref<4x80x128xf32, #tpu.memory_space<vmem>> -> memref<1x80x128xf32, #tpu.memory_space<vmem>>
      %dma_wait3A_231 = tpu.memref_squeeze %dma_wait3A_230 : memref<1x80x128xf32, #tpu.memory_space<vmem>> -> memref<80x128xf32, #tpu.memory_space<vmem>>
      tpu.wait_dma2 semaphore(%run_scoped3A_207 : memref<!tpu.dma_semaphore, #tpu.memory_space<semaphore_mem>>) src(%dma_wait3A_231 : memref<80x128xf32, #tpu.memory_space<vmem>>) dst(%dma_wait3A_227 : memref<80x128xf32, #tpu.memory_space<vmem_shared>>)
      tpu.yield
    }) : () -> ()
    %mul3A_155 = arith.constant 640 : i32
    %mul3A_156 = arith.muli %arg1, %mul3A_155 : i32
    %add3A_157 = arith.constant 240 : i32
    %add3A_158 = arith.addi %mul3A_156, %add3A_157 : i32
    %run_scoped3A_159 = arith.constant 2 : i32
    "tpu.region"() ({
      %run_scoped3A_207 = tpu.sem_alloc : memref<!tpu.dma_semaphore, #tpu.memory_space<semaphore_mem>>
      %dma_start3A_208 = arith.constant 0 : i32
      %dma_start3A_209 = arith.constant 0 : i32
      %dma_start3A_210 = tpu.memref_slice %arg6[%run_scoped3A_159, %dma_start3A_208, %dma_start3A_209] : memref<4x80x128xf32, #tpu.memory_space<vmem>> -> memref<1x80x128xf32, #tpu.memory_space<vmem>>
      %dma_start3A_211 = tpu.memref_squeeze %dma_start3A_210 : memref<1x80x128xf32, #tpu.memory_space<vmem>> -> memref<80x128xf32, #tpu.memory_space<vmem>>
      %dma_start3A_212 = arith.constant 0 : i32
      %dma_start3A_213 = tpu.memref_slice %arg7[%add3A_158, %dma_start3A_212] : memref<10240x128xf32, #tpu.memory_space<vmem_shared>> -> memref<80x128xf32, #tpu.memory_space<vmem_shared>>
      %dma_start3A_214 = arith.constant 0 : i32
      %dma_start3A_215 = tpu.memref_slice %arg7[%add3A_158, %dma_start3A_214] : memref<10240x128xf32, #tpu.memory_space<vmem_shared>> -> memref<80x128xf32, #tpu.memory_space<vmem_shared>>
      %dma_start3A_216 = arith.constant 0 : i32
      %dma_start3A_217 = arith.constant 0 : i32
      %dma_start3A_218 = tpu.memref_slice %arg6[%run_scoped3A_159, %dma_start3A_216, %dma_start3A_217] : memref<4x80x128xf32, #tpu.memory_space<vmem>> -> memref<1x80x128xf32, #tpu.memory_space<vmem>>
      %dma_start3A_219 = tpu.memref_squeeze %dma_start3A_218 : memref<1x80x128xf32, #tpu.memory_space<vmem>> -> memref<80x128xf32, #tpu.memory_space<vmem>>
      tpu.enqueue_dma source(%dma_start3A_219 : memref<80x128xf32, #tpu.memory_space<vmem>>) target(%dma_start3A_215 : memref<80x128xf32, #tpu.memory_space<vmem_shared>>) target_semaphore(%run_scoped3A_207 : memref<!tpu.dma_semaphore, #tpu.memory_space<semaphore_mem>>)
      %dma_wait3A_220 = arith.constant 0 : i32
      %dma_wait3A_221 = arith.constant 0 : i32
      %dma_wait3A_222 = tpu.memref_slice %arg6[%run_scoped3A_159, %dma_wait3A_220, %dma_wait3A_221] : memref<4x80x128xf32, #tpu.memory_space<vmem>> -> memref<1x80x128xf32, #tpu.memory_space<vmem>>
      %dma_wait3A_223 = tpu.memref_squeeze %dma_wait3A_222 : memref<1x80x128xf32, #tpu.memory_space<vmem>> -> memref<80x128xf32, #tpu.memory_space<vmem>>
      %dma_wait3A_224 = arith.constant 0 : i32
      %dma_wait3A_225 = tpu.memref_slice %arg7[%add3A_158, %dma_wait3A_224] : memref<10240x128xf32, #tpu.memory_space<vmem_shared>> -> memref<80x128xf32, #tpu.memory_space<vmem_shared>>
      %dma_wait3A_226 = arith.constant 0 : i32
      %dma_wait3A_227 = tpu.memref_slice %arg7[%add3A_158, %dma_wait3A_226] : memref<10240x128xf32, #tpu.memory_space<vmem_shared>> -> memref<80x128xf32, #tpu.memory_space<vmem_shared>>
      %dma_wait3A_228 = arith.constant 0 : i32
      %dma_wait3A_229 = arith.constant 0 : i32
      %dma_wait3A_230 = tpu.memref_slice %arg6[%run_scoped3A_159, %dma_wait3A_228, %dma_wait3A_229] : memref<4x80x128xf32, #tpu.memory_space<vmem>> -> memref<1x80x128xf32, #tpu.memory_space<vmem>>
      %dma_wait3A_231 = tpu.memref_squeeze %dma_wait3A_230 : memref<1x80x128xf32, #tpu.memory_space<vmem>> -> memref<80x128xf32, #tpu.memory_space<vmem>>
      tpu.wait_dma2 semaphore(%run_scoped3A_207 : memref<!tpu.dma_semaphore, #tpu.memory_space<semaphore_mem>>) src(%dma_wait3A_231 : memref<80x128xf32, #tpu.memory_space<vmem>>) dst(%dma_wait3A_227 : memref<80x128xf32, #tpu.memory_space<vmem_shared>>)
      tpu.yield
    }) : () -> ()
    %mul3A_160 = arith.constant 640 : i32
    %mul3A_161 = arith.muli %arg1, %mul3A_160 : i32
    %add3A_162 = arith.constant 320 : i32
    %add3A_163 = arith.addi %mul3A_161, %add3A_162 : i32
    %run_scoped3A_164 = arith.constant 2 : i32
    "tpu.region"() ({
      %run_scoped3A_207 = tpu.sem_alloc : memref<!tpu.dma_semaphore, #tpu.memory_space<semaphore_mem>>
      %dma_start3A_208 = arith.constant 0 : i32
      %dma_start3A_209 = arith.constant 0 : i32
      %dma_start3A_210 = tpu.memref_slice %arg6[%run_scoped3A_164, %dma_start3A_208, %dma_start3A_209] : memref<4x80x128xf32, #tpu.memory_space<vmem>> -> memref<1x80x128xf32, #tpu.memory_space<vmem>>
      %dma_start3A_211 = tpu.memref_squeeze %dma_start3A_210 : memref<1x80x128xf32, #tpu.memory_space<vmem>> -> memref<80x128xf32, #tpu.memory_space<vmem>>
      %dma_start3A_212 = arith.constant 0 : i32
      %dma_start3A_213 = tpu.memref_slice %arg7[%add3A_163, %dma_start3A_212] : memref<10240x128xf32, #tpu.memory_space<vmem_shared>> -> memref<80x128xf32, #tpu.memory_space<vmem_shared>>
      %dma_start3A_214 = arith.constant 0 : i32
      %dma_start3A_215 = tpu.memref_slice %arg7[%add3A_163, %dma_start3A_214] : memref<10240x128xf32, #tpu.memory_space<vmem_shared>> -> memref<80x128xf32, #tpu.memory_space<vmem_shared>>
      %dma_start3A_216 = arith.constant 0 : i32
      %dma_start3A_217 = arith.constant 0 : i32
      %dma_start3A_218 = tpu.memref_slice %arg6[%run_scoped3A_164, %dma_start3A_216, %dma_start3A_217] : memref<4x80x128xf32, #tpu.memory_space<vmem>> -> memref<1x80x128xf32, #tpu.memory_space<vmem>>
      %dma_start3A_219 = tpu.memref_squeeze %dma_start3A_218 : memref<1x80x128xf32, #tpu.memory_space<vmem>> -> memref<80x128xf32, #tpu.memory_space<vmem>>
      tpu.enqueue_dma source(%dma_start3A_219 : memref<80x128xf32, #tpu.memory_space<vmem>>) target(%dma_start3A_215 : memref<80x128xf32, #tpu.memory_space<vmem_shared>>) target_semaphore(%run_scoped3A_207 : memref<!tpu.dma_semaphore, #tpu.memory_space<semaphore_mem>>)
      %dma_wait3A_220 = arith.constant 0 : i32
      %dma_wait3A_221 = arith.constant 0 : i32
      %dma_wait3A_222 = tpu.memref_slice %arg6[%run_scoped3A_164, %dma_wait3A_220, %dma_wait3A_221] : memref<4x80x128xf32, #tpu.memory_space<vmem>> -> memref<1x80x128xf32, #tpu.memory_space<vmem>>
      %dma_wait3A_223 = tpu.memref_squeeze %dma_wait3A_222 : memref<1x80x128xf32, #tpu.memory_space<vmem>> -> memref<80x128xf32, #tpu.memory_space<vmem>>
      %dma_wait3A_224 = arith.constant 0 : i32
      %dma_wait3A_225 = tpu.memref_slice %arg7[%add3A_163, %dma_wait3A_224] : memref<10240x128xf32, #tpu.memory_space<vmem_shared>> -> memref<80x128xf32, #tpu.memory_space<vmem_shared>>
      %dma_wait3A_226 = arith.constant 0 : i32
      %dma_wait3A_227 = tpu.memref_slice %arg7[%add3A_163, %dma_wait3A_226] : memref<10240x128xf32, #tpu.memory_space<vmem_shared>> -> memref<80x128xf32, #tpu.memory_space<vmem_shared>>
      %dma_wait3A_228 = arith.constant 0 : i32
      %dma_wait3A_229 = arith.constant 0 : i32
      %dma_wait3A_230 = tpu.memref_slice %arg6[%run_scoped3A_164, %dma_wait3A_228, %dma_wait3A_229] : memref<4x80x128xf32, #tpu.memory_space<vmem>> -> memref<1x80x128xf32, #tpu.memory_space<vmem>>
      %dma_wait3A_231 = tpu.memref_squeeze %dma_wait3A_230 : memref<1x80x128xf32, #tpu.memory_space<vmem>> -> memref<80x128xf32, #tpu.memory_space<vmem>>
      tpu.wait_dma2 semaphore(%run_scoped3A_207 : memref<!tpu.dma_semaphore, #tpu.memory_space<semaphore_mem>>) src(%dma_wait3A_231 : memref<80x128xf32, #tpu.memory_space<vmem>>) dst(%dma_wait3A_227 : memref<80x128xf32, #tpu.memory_space<vmem_shared>>)
      tpu.yield
    }) : () -> ()
    %mul3A_165 = arith.constant 640 : i32
    %mul3A_166 = arith.muli %arg1, %mul3A_165 : i32
    %add3A_167 = arith.constant 400 : i32
    %add3A_168 = arith.addi %mul3A_166, %add3A_167 : i32
    %run_scoped3A_169 = arith.constant 2 : i32
    "tpu.region"() ({
      %run_scoped3A_207 = tpu.sem_alloc : memref<!tpu.dma_semaphore, #tpu.memory_space<semaphore_mem>>
      %dma_start3A_208 = arith.constant 0 : i32
      %dma_start3A_209 = arith.constant 0 : i32
      %dma_start3A_210 = tpu.memref_slice %arg6[%run_scoped3A_169, %dma_start3A_208, %dma_start3A_209] : memref<4x80x128xf32, #tpu.memory_space<vmem>> -> memref<1x80x128xf32, #tpu.memory_space<vmem>>
      %dma_start3A_211 = tpu.memref_squeeze %dma_start3A_210 : memref<1x80x128xf32, #tpu.memory_space<vmem>> -> memref<80x128xf32, #tpu.memory_space<vmem>>
      %dma_start3A_212 = arith.constant 0 : i32
      %dma_start3A_213 = tpu.memref_slice %arg7[%add3A_168, %dma_start3A_212] : memref<10240x128xf32, #tpu.memory_space<vmem_shared>> -> memref<80x128xf32, #tpu.memory_space<vmem_shared>>
      %dma_start3A_214 = arith.constant 0 : i32
      %dma_start3A_215 = tpu.memref_slice %arg7[%add3A_168, %dma_start3A_214] : memref<10240x128xf32, #tpu.memory_space<vmem_shared>> -> memref<80x128xf32, #tpu.memory_space<vmem_shared>>
      %dma_start3A_216 = arith.constant 0 : i32
      %dma_start3A_217 = arith.constant 0 : i32
      %dma_start3A_218 = tpu.memref_slice %arg6[%run_scoped3A_169, %dma_start3A_216, %dma_start3A_217] : memref<4x80x128xf32, #tpu.memory_space<vmem>> -> memref<1x80x128xf32, #tpu.memory_space<vmem>>
      %dma_start3A_219 = tpu.memref_squeeze %dma_start3A_218 : memref<1x80x128xf32, #tpu.memory_space<vmem>> -> memref<80x128xf32, #tpu.memory_space<vmem>>
      tpu.enqueue_dma source(%dma_start3A_219 : memref<80x128xf32, #tpu.memory_space<vmem>>) target(%dma_start3A_215 : memref<80x128xf32, #tpu.memory_space<vmem_shared>>) target_semaphore(%run_scoped3A_207 : memref<!tpu.dma_semaphore, #tpu.memory_space<semaphore_mem>>)
      %dma_wait3A_220 = arith.constant 0 : i32
      %dma_wait3A_221 = arith.constant 0 : i32
      %dma_wait3A_222 = tpu.memref_slice %arg6[%run_scoped3A_169, %dma_wait3A_220, %dma_wait3A_221] : memref<4x80x128xf32, #tpu.memory_space<vmem>> -> memref<1x80x128xf32, #tpu.memory_space<vmem>>
      %dma_wait3A_223 = tpu.memref_squeeze %dma_wait3A_222 : memref<1x80x128xf32, #tpu.memory_space<vmem>> -> memref<80x128xf32, #tpu.memory_space<vmem>>
      %dma_wait3A_224 = arith.constant 0 : i32
      %dma_wait3A_225 = tpu.memref_slice %arg7[%add3A_168, %dma_wait3A_224] : memref<10240x128xf32, #tpu.memory_space<vmem_shared>> -> memref<80x128xf32, #tpu.memory_space<vmem_shared>>
      %dma_wait3A_226 = arith.constant 0 : i32
      %dma_wait3A_227 = tpu.memref_slice %arg7[%add3A_168, %dma_wait3A_226] : memref<10240x128xf32, #tpu.memory_space<vmem_shared>> -> memref<80x128xf32, #tpu.memory_space<vmem_shared>>
      %dma_wait3A_228 = arith.constant 0 : i32
      %dma_wait3A_229 = arith.constant 0 : i32
      %dma_wait3A_230 = tpu.memref_slice %arg6[%run_scoped3A_169, %dma_wait3A_228, %dma_wait3A_229] : memref<4x80x128xf32, #tpu.memory_space<vmem>> -> memref<1x80x128xf32, #tpu.memory_space<vmem>>
      %dma_wait3A_231 = tpu.memref_squeeze %dma_wait3A_230 : memref<1x80x128xf32, #tpu.memory_space<vmem>> -> memref<80x128xf32, #tpu.memory_space<vmem>>
      tpu.wait_dma2 semaphore(%run_scoped3A_207 : memref<!tpu.dma_semaphore, #tpu.memory_space<semaphore_mem>>) src(%dma_wait3A_231 : memref<80x128xf32, #tpu.memory_space<vmem>>) dst(%dma_wait3A_227 : memref<80x128xf32, #tpu.memory_space<vmem_shared>>)
      tpu.yield
    }) : () -> ()
    %mul3A_170 = arith.constant 640 : i32
    %mul3A_171 = arith.muli %arg1, %mul3A_170 : i32
    %add3A_172 = arith.constant 480 : i32
    %add3A_173 = arith.addi %mul3A_171, %add3A_172 : i32
    %run_scoped3A_174 = arith.constant 2 : i32
    "tpu.region"() ({
      %run_scoped3A_207 = tpu.sem_alloc : memref<!tpu.dma_semaphore, #tpu.memory_space<semaphore_mem>>
      %dma_start3A_208 = arith.constant 0 : i32
      %dma_start3A_209 = arith.constant 0 : i32
      %dma_start3A_210 = tpu.memref_slice %arg6[%run_scoped3A_174, %dma_start3A_208, %dma_start3A_209] : memref<4x80x128xf32, #tpu.memory_space<vmem>> -> memref<1x80x128xf32, #tpu.memory_space<vmem>>
      %dma_start3A_211 = tpu.memref_squeeze %dma_start3A_210 : memref<1x80x128xf32, #tpu.memory_space<vmem>> -> memref<80x128xf32, #tpu.memory_space<vmem>>
      %dma_start3A_212 = arith.constant 0 : i32
      %dma_start3A_213 = tpu.memref_slice %arg7[%add3A_173, %dma_start3A_212] : memref<10240x128xf32, #tpu.memory_space<vmem_shared>> -> memref<80x128xf32, #tpu.memory_space<vmem_shared>>
      %dma_start3A_214 = arith.constant 0 : i32
      %dma_start3A_215 = tpu.memref_slice %arg7[%add3A_173, %dma_start3A_214] : memref<10240x128xf32, #tpu.memory_space<vmem_shared>> -> memref<80x128xf32, #tpu.memory_space<vmem_shared>>
      %dma_start3A_216 = arith.constant 0 : i32
      %dma_start3A_217 = arith.constant 0 : i32
      %dma_start3A_218 = tpu.memref_slice %arg6[%run_scoped3A_174, %dma_start3A_216, %dma_start3A_217] : memref<4x80x128xf32, #tpu.memory_space<vmem>> -> memref<1x80x128xf32, #tpu.memory_space<vmem>>
      %dma_start3A_219 = tpu.memref_squeeze %dma_start3A_218 : memref<1x80x128xf32, #tpu.memory_space<vmem>> -> memref<80x128xf32, #tpu.memory_space<vmem>>
      tpu.enqueue_dma source(%dma_start3A_219 : memref<80x128xf32, #tpu.memory_space<vmem>>) target(%dma_start3A_215 : memref<80x128xf32, #tpu.memory_space<vmem_shared>>) target_semaphore(%run_scoped3A_207 : memref<!tpu.dma_semaphore, #tpu.memory_space<semaphore_mem>>)
      %dma_wait3A_220 = arith.constant 0 : i32
      %dma_wait3A_221 = arith.constant 0 : i32
      %dma_wait3A_222 = tpu.memref_slice %arg6[%run_scoped3A_174, %dma_wait3A_220, %dma_wait3A_221] : memref<4x80x128xf32, #tpu.memory_space<vmem>> -> memref<1x80x128xf32, #tpu.memory_space<vmem>>
      %dma_wait3A_223 = tpu.memref_squeeze %dma_wait3A_222 : memref<1x80x128xf32, #tpu.memory_space<vmem>> -> memref<80x128xf32, #tpu.memory_space<vmem>>
      %dma_wait3A_224 = arith.constant 0 : i32
      %dma_wait3A_225 = tpu.memref_slice %arg7[%add3A_173, %dma_wait3A_224] : memref<10240x128xf32, #tpu.memory_space<vmem_shared>> -> memref<80x128xf32, #tpu.memory_space<vmem_shared>>
      %dma_wait3A_226 = arith.constant 0 : i32
      %dma_wait3A_227 = tpu.memref_slice %arg7[%add3A_173, %dma_wait3A_226] : memref<10240x128xf32, #tpu.memory_space<vmem_shared>> -> memref<80x128xf32, #tpu.memory_space<vmem_shared>>
      %dma_wait3A_228 = arith.constant 0 : i32
      %dma_wait3A_229 = arith.constant 0 : i32
      %dma_wait3A_230 = tpu.memref_slice %arg6[%run_scoped3A_174, %dma_wait3A_228, %dma_wait3A_229] : memref<4x80x128xf32, #tpu.memory_space<vmem>> -> memref<1x80x128xf32, #tpu.memory_space<vmem>>
      %dma_wait3A_231 = tpu.memref_squeeze %dma_wait3A_230 : memref<1x80x128xf32, #tpu.memory_space<vmem>> -> memref<80x128xf32, #tpu.memory_space<vmem>>
      tpu.wait_dma2 semaphore(%run_scoped3A_207 : memref<!tpu.dma_semaphore, #tpu.memory_space<semaphore_mem>>) src(%dma_wait3A_231 : memref<80x128xf32, #tpu.memory_space<vmem>>) dst(%dma_wait3A_227 : memref<80x128xf32, #tpu.memory_space<vmem_shared>>)
      tpu.yield
    }) : () -> ()
    %mul3A_175 = arith.constant 640 : i32
    %mul3A_176 = arith.muli %arg1, %mul3A_175 : i32
    %add3A_177 = arith.constant 560 : i32
    %add3A_178 = arith.addi %mul3A_176, %add3A_177 : i32
    %run_scoped3A_179 = arith.constant 2 : i32
    "tpu.region"() ({
      %run_scoped3A_207 = tpu.sem_alloc : memref<!tpu.dma_semaphore, #tpu.memory_space<semaphore_mem>>
      %dma_start3A_208 = arith.constant 0 : i32
      %dma_start3A_209 = arith.constant 0 : i32
      %dma_start3A_210 = tpu.memref_slice %arg6[%run_scoped3A_179, %dma_start3A_208, %dma_start3A_209] : memref<4x80x128xf32, #tpu.memory_space<vmem>> -> memref<1x80x128xf32, #tpu.memory_space<vmem>>
      %dma_start3A_211 = tpu.memref_squeeze %dma_start3A_210 : memref<1x80x128xf32, #tpu.memory_space<vmem>> -> memref<80x128xf32, #tpu.memory_space<vmem>>
      %dma_start3A_212 = arith.constant 0 : i32
      %dma_start3A_213 = tpu.memref_slice %arg7[%add3A_178, %dma_start3A_212] : memref<10240x128xf32, #tpu.memory_space<vmem_shared>> -> memref<80x128xf32, #tpu.memory_space<vmem_shared>>
      %dma_start3A_214 = arith.constant 0 : i32
      %dma_start3A_215 = tpu.memref_slice %arg7[%add3A_178, %dma_start3A_214] : memref<10240x128xf32, #tpu.memory_space<vmem_shared>> -> memref<80x128xf32, #tpu.memory_space<vmem_shared>>
      %dma_start3A_216 = arith.constant 0 : i32
      %dma_start3A_217 = arith.constant 0 : i32
      %dma_start3A_218 = tpu.memref_slice %arg6[%run_scoped3A_179, %dma_start3A_216, %dma_start3A_217] : memref<4x80x128xf32, #tpu.memory_space<vmem>> -> memref<1x80x128xf32, #tpu.memory_space<vmem>>
      %dma_start3A_219 = tpu.memref_squeeze %dma_start3A_218 : memref<1x80x128xf32, #tpu.memory_space<vmem>> -> memref<80x128xf32, #tpu.memory_space<vmem>>
      tpu.enqueue_dma source(%dma_start3A_219 : memref<80x128xf32, #tpu.memory_space<vmem>>) target(%dma_start3A_215 : memref<80x128xf32, #tpu.memory_space<vmem_shared>>) target_semaphore(%run_scoped3A_207 : memref<!tpu.dma_semaphore, #tpu.memory_space<semaphore_mem>>)
      %dma_wait3A_220 = arith.constant 0 : i32
      %dma_wait3A_221 = arith.constant 0 : i32
      %dma_wait3A_222 = tpu.memref_slice %arg6[%run_scoped3A_179, %dma_wait3A_220, %dma_wait3A_221] : memref<4x80x128xf32, #tpu.memory_space<vmem>> -> memref<1x80x128xf32, #tpu.memory_space<vmem>>
      %dma_wait3A_223 = tpu.memref_squeeze %dma_wait3A_222 : memref<1x80x128xf32, #tpu.memory_space<vmem>> -> memref<80x128xf32, #tpu.memory_space<vmem>>
      %dma_wait3A_224 = arith.constant 0 : i32
      %dma_wait3A_225 = tpu.memref_slice %arg7[%add3A_178, %dma_wait3A_224] : memref<10240x128xf32, #tpu.memory_space<vmem_shared>> -> memref<80x128xf32, #tpu.memory_space<vmem_shared>>
      %dma_wait3A_226 = arith.constant 0 : i32
      %dma_wait3A_227 = tpu.memref_slice %arg7[%add3A_178, %dma_wait3A_226] : memref<10240x128xf32, #tpu.memory_space<vmem_shared>> -> memref<80x128xf32, #tpu.memory_space<vmem_shared>>
      %dma_wait3A_228 = arith.constant 0 : i32
      %dma_wait3A_229 = arith.constant 0 : i32
      %dma_wait3A_230 = tpu.memref_slice %arg6[%run_scoped3A_179, %dma_wait3A_228, %dma_wait3A_229] : memref<4x80x128xf32, #tpu.memory_space<vmem>> -> memref<1x80x128xf32, #tpu.memory_space<vmem>>
      %dma_wait3A_231 = tpu.memref_squeeze %dma_wait3A_230 : memref<1x80x128xf32, #tpu.memory_space<vmem>> -> memref<80x128xf32, #tpu.memory_space<vmem>>
      tpu.wait_dma2 semaphore(%run_scoped3A_207 : memref<!tpu.dma_semaphore, #tpu.memory_space<semaphore_mem>>) src(%dma_wait3A_231 : memref<80x128xf32, #tpu.memory_space<vmem>>) dst(%dma_wait3A_227 : memref<80x128xf32, #tpu.memory_space<vmem_shared>>)
      tpu.yield
    }) : () -> ()
    %barrier3A = arith.constant 0 : index
    tpu.barrier barrier_id(%barrier3A)
    %scan3A_180 = arith.constant 0 : i32
    %scan3A_181 = arith.constant 0 : i32
    %scan3A_182 = arith.constant 125 : i32
    %scan3A_183 = arith.addi %scan3A_181, %scan3A_182 : i32
    %scan3A_184 = arith.constant 1 : i32
    scf.for %scan3A_207 = %scan3A_181 to %scan3A_183 step %scan3A_184  : i32 {
      %rem3A = arith.constant 5 : i32
      %rem3A_208 = arith.remsi %scan3A_207, %rem3A : i32
      %rem3A_209 = arith.constant 4 : i32
      %rem3A_210 = arith.remsi %scan3A_207, %rem3A_209 : i32
      %add3A_211 = arith.constant 2 : i32
      %add3A_212 = arith.addi %scan3A_207, %add3A_211 : i32
      %rem3A_213 = arith.constant 5 : i32
      %rem3A_214 = arith.remsi %add3A_212, %rem3A_213 : i32
      %add3A_215 = arith.constant 2 : i32
      %add3A_216 = arith.addi %scan3A_207, %add3A_215 : i32
      %rem3A_217 = arith.constant 4 : i32
      %rem3A_218 = arith.remsi %add3A_216, %rem3A_217 : i32
      %add3A_219 = arith.constant 2 : i32
      %add3A_220 = arith.addi %scan3A_207, %add3A_219 : i32
      %lt3A = arith.constant 125 : i32
      %lt3A_221 = arith.cmpi slt, %add3A_220, %lt3A : i32
      %convert_element_type3A = arith.extui %lt3A_221 : i1 to i32
      %cond3A = arith.constant 0 : i32
      %cond3A_222 = arith.cmpi ne, %convert_element_type3A, %cond3A : i32
      scf.if %cond3A_222 {
        %add3A_260 = arith.constant 2 : i32
        %add3A_261 = arith.addi %scan3A_207, %add3A_260 : i32
        %dma_wait3A_262 = arith.constant 0 : i32
        %dma_wait3A_263 = arith.constant 0 : i32
        %dma_wait3A_264 = tpu.memref_slice %arg5[%rem3A_214, %dma_wait3A_262, %dma_wait3A_263] : memref<5x2x80xi32, #tpu.memory_space<vmem>> -> memref<1x2x80xi32, #tpu.memory_space<vmem>>
        %dma_wait3A_265 = tpu.memref_squeeze %dma_wait3A_264 : memref<1x2x80xi32, #tpu.memory_space<vmem>> -> memref<2x80xi32, #tpu.memory_space<vmem>>
        %dma_wait3A_266 = arith.constant 0 : i32
        %dma_wait3A_267 = arith.constant 0 : i32
        %dma_wait3A_268 = tpu.memref_slice %arg3[%add3A, %add3A_261, %dma_wait3A_266, %dma_wait3A_267] : memref<32x125x2x80xi32, #tpu.memory_space<hbm>> -> memref<1x1x2x80xi32, #tpu.memory_space<hbm>>
        %dma_wait3A_269 = tpu.memref_squeeze %dma_wait3A_268 : memref<1x1x2x80xi32, #tpu.memory_space<hbm>> -> memref<2x80xi32, #tpu.memory_space<hbm>>
        %dma_wait3A_270 = tpu.memref_slice %arg8[%rem3A_214] : memref<5x!tpu.dma_semaphore, #tpu.memory_space<semaphore_mem>> -> memref<1x!tpu.dma_semaphore, #tpu.memory_space<semaphore_mem>>
        %dma_wait3A_271 = tpu.memref_squeeze %dma_wait3A_270 : memref<1x!tpu.dma_semaphore, #tpu.memory_space<semaphore_mem>> -> memref<!tpu.dma_semaphore, #tpu.memory_space<semaphore_mem>>
        %dma_wait3A_272 = arith.constant 0 : i32
        %dma_wait3A_273 = arith.constant 0 : i32
        %dma_wait3A_274 = tpu.memref_slice %arg5[%rem3A_214, %dma_wait3A_272, %dma_wait3A_273] : memref<5x2x80xi32, #tpu.memory_space<vmem>> -> memref<1x2x80xi32, #tpu.memory_space<vmem>>
        %dma_wait3A_275 = tpu.memref_squeeze %dma_wait3A_274 : memref<1x2x80xi32, #tpu.memory_space<vmem>> -> memref<2x80xi32, #tpu.memory_space<vmem>>
        %dma_wait3A_276 = arith.constant 0 : i32
        %dma_wait3A_277 = arith.constant 0 : i32
        %dma_wait3A_278 = tpu.memref_slice %arg3[%add3A, %add3A_261, %dma_wait3A_276, %dma_wait3A_277] : memref<32x125x2x80xi32, #tpu.memory_space<hbm>> -> memref<1x1x2x80xi32, #tpu.memory_space<hbm>>
        %dma_wait3A_279 = tpu.memref_squeeze %dma_wait3A_278 : memref<1x1x2x80xi32, #tpu.memory_space<hbm>> -> memref<2x80xi32, #tpu.memory_space<hbm>>
        tpu.wait_dma2 semaphore(%dma_wait3A_271 : memref<!tpu.dma_semaphore, #tpu.memory_space<semaphore_mem>>) src(%dma_wait3A_279 : memref<2x80xi32, #tpu.memory_space<hbm>>) dst(%dma_wait3A_275 : memref<2x80xi32, #tpu.memory_space<vmem>>)
        %add3A_280 = arith.constant 2 : i32
        %add3A_281 = arith.addi %scan3A_207, %add3A_280 : i32
        %dma_start3A_282 = arith.constant 1 : i32
        %dma_start3A_283 = arith.constant 0 : i32
        %dma_start3A_284 = arith.constant 0 : i32
        %dma_start3A_285 = tpu.memref_slice %arg6[%rem3A_218, %dma_start3A_283, %dma_start3A_284] : memref<4x80x128xf32, #tpu.memory_space<vmem>> -> memref<1x80x128xf32, #tpu.memory_space<vmem>>
        %dma_start3A_286 = tpu.memref_squeeze %dma_start3A_285 : memref<1x80x128xf32, #tpu.memory_space<vmem>> -> memref<80x128xf32, #tpu.memory_space<vmem>>
        %dma_start3A_287 = arith.constant 0 : i32
        %dma_start3A_288 = tpu.memref_slice %arg5[%rem3A_214, %dma_start3A_282, %dma_start3A_287] : memref<5x2x80xi32, #tpu.memory_space<vmem>> -> memref<1x1x80xi32, #tpu.memory_space<vmem>>
        %dma_start3A_289 = tpu.memref_squeeze %dma_start3A_288 : memref<1x1x80xi32, #tpu.memory_space<vmem>> -> memref<80xi32, #tpu.memory_space<vmem>>
        %dma_start3A_290 = arith.constant 0 : i32
        %dma_start3A_291 = arith.constant 0 : i32
        %dma_start3A_292 = tpu.memref_slice %arg2[%dma_start3A_290, %dma_start3A_291] : memref<10000x128xf32, #tpu.memory_space<hbm>> -> memref<10000x128xf32, #tpu.memory_space<hbm>>
        %dma_start3A_293 = tpu.memref_slice %arg9[%rem3A_218] : memref<4x!tpu.dma_semaphore, #tpu.memory_space<semaphore_mem>> -> memref<1x!tpu.dma_semaphore, #tpu.memory_space<semaphore_mem>>
        %dma_start3A_294 = tpu.memref_squeeze %dma_start3A_293 : memref<1x!tpu.dma_semaphore, #tpu.memory_space<semaphore_mem>> -> memref<!tpu.dma_semaphore, #tpu.memory_space<semaphore_mem>>
        tpu.enqueue_indirect_dma source(%dma_start3A_292 : memref<10000x128xf32, #tpu.memory_space<hbm>>) target(%dma_start3A_286 : memref<80x128xf32, #tpu.memory_space<vmem>>) offsets(%dma_start3A_289 : memref<80xi32, #tpu.memory_space<vmem>>) semaphore(%dma_start3A_294 : memref<!tpu.dma_semaphore, #tpu.memory_space<semaphore_mem>>)
      } else {
      }
      %dma_wait3A_223 = arith.constant 1 : i32
      %dma_wait3A_224 = arith.constant 0 : i32
      %dma_wait3A_225 = arith.constant 0 : i32
      %dma_wait3A_226 = tpu.memref_slice %arg6[%rem3A_210, %dma_wait3A_224, %dma_wait3A_225] : memref<4x80x128xf32, #tpu.memory_space<vmem>> -> memref<1x80x128xf32, #tpu.memory_space<vmem>>
      %dma_wait3A_227 = tpu.memref_squeeze %dma_wait3A_226 : memref<1x80x128xf32, #tpu.memory_space<vmem>> -> memref<80x128xf32, #tpu.memory_space<vmem>>
      %dma_wait3A_228 = arith.constant 0 : i32
      %dma_wait3A_229 = tpu.memref_slice %arg5[%rem3A_208, %dma_wait3A_223, %dma_wait3A_228] : memref<5x2x80xi32, #tpu.memory_space<vmem>> -> memref<1x1x80xi32, #tpu.memory_space<vmem>>
      %dma_wait3A_230 = tpu.memref_squeeze %dma_wait3A_229 : memref<1x1x80xi32, #tpu.memory_space<vmem>> -> memref<80xi32, #tpu.memory_space<vmem>>
      %dma_wait3A_231 = arith.constant 0 : i32
      %dma_wait3A_232 = arith.constant 0 : i32
      %dma_wait3A_233 = tpu.memref_slice %arg2[%dma_wait3A_231, %dma_wait3A_232] : memref<10000x128xf32, #tpu.memory_space<hbm>> -> memref<10000x128xf32, #tpu.memory_space<hbm>>
      %dma_wait3A_234 = tpu.memref_slice %arg9[%rem3A_210] : memref<4x!tpu.dma_semaphore, #tpu.memory_space<semaphore_mem>> -> memref<1x!tpu.dma_semaphore, #tpu.memory_space<semaphore_mem>>
      %dma_wait3A_235 = tpu.memref_squeeze %dma_wait3A_234 : memref<1x!tpu.dma_semaphore, #tpu.memory_space<semaphore_mem>> -> memref<!tpu.dma_semaphore, #tpu.memory_space<semaphore_mem>>
      tpu.wait_indirect_dma semaphore(%dma_wait3A_235 : memref<!tpu.dma_semaphore, #tpu.memory_space<semaphore_mem>>) src(%dma_wait3A_233 : memref<10000x128xf32, #tpu.memory_space<hbm>>) dst(%dma_wait3A_227 : memref<80x128xf32, #tpu.memory_space<vmem>>)
      %ge3A = arith.constant 1 : i32
      %ge3A_236 = arith.cmpi sge, %scan3A_207, %ge3A : i32
      %convert_element_type3A_237 = arith.extui %ge3A_236 : i1 to i32
      %cond3A_238 = arith.constant 0 : i32
      %cond3A_239 = arith.cmpi ne, %convert_element_type3A_237, %cond3A_238 : i32
      scf.if %cond3A_239 {
        %add3A_260 = arith.constant 4 : i32
        %add3A_261 = arith.addi %scan3A_207, %add3A_260 : i32
        %rem3A_262 = arith.constant 5 : i32
        %rem3A_263 = arith.remsi %add3A_261, %rem3A_262 : i32
        %add3A_264 = arith.constant 3 : i32
        %add3A_265 = arith.addi %scan3A_207, %add3A_264 : i32
        %rem3A_266 = arith.constant 4 : i32
        %rem3A_267 = arith.remsi %add3A_265, %rem3A_266 : i32
        %dma_wait3A_268 = arith.constant 0 : i32
        %dma_wait3A_269 = arith.constant 0 : i32
        %dma_wait3A_270 = arith.constant 0 : i32
        %dma_wait3A_271 = tpu.memref_slice %arg6[%rem3A_267, %dma_wait3A_269, %dma_wait3A_270] : memref<4x80x128xf32, #tpu.memory_space<vmem>> -> memref<1x80x128xf32, #tpu.memory_space<vmem>>
        %dma_wait3A_272 = tpu.memref_squeeze %dma_wait3A_271 : memref<1x80x128xf32, #tpu.memory_space<vmem>> -> memref<80x128xf32, #tpu.memory_space<vmem>>
        %dma_wait3A_273 = arith.constant 0 : i32
        %dma_wait3A_274 = tpu.memref_slice %arg5[%rem3A_263, %dma_wait3A_268, %dma_wait3A_273] : memref<5x2x80xi32, #tpu.memory_space<vmem>> -> memref<1x1x80xi32, #tpu.memory_space<vmem>>
        %dma_wait3A_275 = tpu.memref_squeeze %dma_wait3A_274 : memref<1x1x80xi32, #tpu.memory_space<vmem>> -> memref<80xi32, #tpu.memory_space<vmem>>
        %dma_wait3A_276 = arith.constant 0 : i32
        %dma_wait3A_277 = arith.constant 0 : i32
        %dma_wait3A_278 = tpu.memref_slice %arg7[%dma_wait3A_276, %dma_wait3A_277] : memref<10240x128xf32, #tpu.memory_space<vmem_shared>> -> memref<10240x128xf32, #tpu.memory_space<vmem_shared>>
        %dma_wait3A_279 = tpu.memref_slice %arg10[%rem3A_267] : memref<4x!tpu.dma_semaphore, #tpu.memory_space<semaphore_mem>> -> memref<1x!tpu.dma_semaphore, #tpu.memory_space<semaphore_mem>>
        %dma_wait3A_280 = tpu.memref_squeeze %dma_wait3A_279 : memref<1x!tpu.dma_semaphore, #tpu.memory_space<semaphore_mem>> -> memref<!tpu.dma_semaphore, #tpu.memory_space<semaphore_mem>>
        tpu.wait_indirect_dma semaphore(%dma_wait3A_280 : memref<!tpu.dma_semaphore, #tpu.memory_space<semaphore_mem>>) src(%dma_wait3A_272 : memref<80x128xf32, #tpu.memory_space<vmem>>) dst(%dma_wait3A_278 : memref<10240x128xf32, #tpu.memory_space<vmem_shared>>)
      } else {
      }
      %dma_start3A_240 = arith.constant 0 : i32
      %dma_start3A_241 = arith.constant 0 : i32
      %dma_start3A_242 = arith.constant 0 : i32
      %dma_start3A_243 = tpu.memref_slice %arg6[%rem3A_210, %dma_start3A_241, %dma_start3A_242] : memref<4x80x128xf32, #tpu.memory_space<vmem>> -> memref<1x80x128xf32, #tpu.memory_space<vmem>>
      %dma_start3A_244 = tpu.memref_squeeze %dma_start3A_243 : memref<1x80x128xf32, #tpu.memory_space<vmem>> -> memref<80x128xf32, #tpu.memory_space<vmem>>
      %dma_start3A_245 = arith.constant 0 : i32
      %dma_start3A_246 = tpu.memref_slice %arg5[%rem3A_208, %dma_start3A_240, %dma_start3A_245] : memref<5x2x80xi32, #tpu.memory_space<vmem>> -> memref<1x1x80xi32, #tpu.memory_space<vmem>>
      %dma_start3A_247 = tpu.memref_squeeze %dma_start3A_246 : memref<1x1x80xi32, #tpu.memory_space<vmem>> -> memref<80xi32, #tpu.memory_space<vmem>>
      %dma_start3A_248 = arith.constant 0 : i32
      %dma_start3A_249 = arith.constant 0 : i32
      %dma_start3A_250 = tpu.memref_slice %arg7[%dma_start3A_248, %dma_start3A_249] : memref<10240x128xf32, #tpu.memory_space<vmem_shared>> -> memref<10240x128xf32, #tpu.memory_space<vmem_shared>>
      %dma_start3A_251 = tpu.memref_slice %arg10[%rem3A_210] : memref<4x!tpu.dma_semaphore, #tpu.memory_space<semaphore_mem>> -> memref<1x!tpu.dma_semaphore, #tpu.memory_space<semaphore_mem>>
      %dma_start3A_252 = tpu.memref_squeeze %dma_start3A_251 : memref<1x!tpu.dma_semaphore, #tpu.memory_space<semaphore_mem>> -> memref<!tpu.dma_semaphore, #tpu.memory_space<semaphore_mem>>
      tpu.enqueue_indirect_dma source(%dma_start3A_244 : memref<80x128xf32, #tpu.memory_space<vmem>>) target(%dma_start3A_250 : memref<10240x128xf32, #tpu.memory_space<vmem_shared>>) offsets(%dma_start3A_247 : memref<80xi32, #tpu.memory_space<vmem>>) semaphore(%dma_start3A_252 : memref<!tpu.dma_semaphore, #tpu.memory_space<semaphore_mem>>) {add = true}
      %add3A_253 = arith.constant 3 : i32
      %add3A_254 = arith.addi %scan3A_207, %add3A_253 : i32
      %lt3A_255 = arith.constant 125 : i32
      %lt3A_256 = arith.cmpi slt, %add3A_254, %lt3A_255 : i32
      %convert_element_type3A_257 = arith.extui %lt3A_256 : i1 to i32
      %cond3A_258 = arith.constant 0 : i32
      %cond3A_259 = arith.cmpi ne, %convert_element_type3A_257, %cond3A_258 : i32
      scf.if %cond3A_259 {
        %add3A_260 = arith.constant 3 : i32
        %add3A_261 = arith.addi %scan3A_207, %add3A_260 : i32
        %add3A_262 = arith.constant 3 : i32
        %add3A_263 = arith.addi %scan3A_207, %add3A_262 : i32
        %rem3A_264 = arith.constant 5 : i32
        %rem3A_265 = arith.remsi %add3A_263, %rem3A_264 : i32
        %dma_start3A_266 = arith.constant 0 : i32
        %dma_start3A_267 = arith.constant 0 : i32
        %dma_start3A_268 = tpu.memref_slice %arg5[%rem3A_265, %dma_start3A_266, %dma_start3A_267] : memref<5x2x80xi32, #tpu.memory_space<vmem>> -> memref<1x2x80xi32, #tpu.memory_space<vmem>>
        %dma_start3A_269 = tpu.memref_squeeze %dma_start3A_268 : memref<1x2x80xi32, #tpu.memory_space<vmem>> -> memref<2x80xi32, #tpu.memory_space<vmem>>
        %dma_start3A_270 = arith.constant 0 : i32
        %dma_start3A_271 = arith.constant 0 : i32
        %dma_start3A_272 = tpu.memref_slice %arg3[%add3A, %add3A_261, %dma_start3A_270, %dma_start3A_271] : memref<32x125x2x80xi32, #tpu.memory_space<hbm>> -> memref<1x1x2x80xi32, #tpu.memory_space<hbm>>
        %dma_start3A_273 = tpu.memref_squeeze %dma_start3A_272 : memref<1x1x2x80xi32, #tpu.memory_space<hbm>> -> memref<2x80xi32, #tpu.memory_space<hbm>>
        %dma_start3A_274 = tpu.memref_slice %arg8[%rem3A_265] : memref<5x!tpu.dma_semaphore, #tpu.memory_space<semaphore_mem>> -> memref<1x!tpu.dma_semaphore, #tpu.memory_space<semaphore_mem>>
        %dma_start3A_275 = tpu.memref_squeeze %dma_start3A_274 : memref<1x!tpu.dma_semaphore, #tpu.memory_space<semaphore_mem>> -> memref<!tpu.dma_semaphore, #tpu.memory_space<semaphore_mem>>
        %dma_start3A_276 = arith.constant 0 : i32
        %dma_start3A_277 = arith.constant 0 : i32
        %dma_start3A_278 = tpu.memref_slice %arg5[%rem3A_265, %dma_start3A_276, %dma_start3A_277] : memref<5x2x80xi32, #tpu.memory_space<vmem>> -> memref<1x2x80xi32, #tpu.memory_space<vmem>>
        %dma_start3A_279 = tpu.memref_squeeze %dma_start3A_278 : memref<1x2x80xi32, #tpu.memory_space<vmem>> -> memref<2x80xi32, #tpu.memory_space<vmem>>
        %dma_start3A_280 = arith.constant 0 : i32
        %dma_start3A_281 = arith.constant 0 : i32
        %dma_start3A_282 = tpu.memref_slice %arg3[%add3A, %add3A_261, %dma_start3A_280, %dma_start3A_281] : memref<32x125x2x80xi32, #tpu.memory_space<hbm>> -> memref<1x1x2x80xi32, #tpu.memory_space<hbm>>
        %dma_start3A_283 = tpu.memref_squeeze %dma_start3A_282 : memref<1x1x2x80xi32, #tpu.memory_space<hbm>> -> memref<2x80xi32, #tpu.memory_space<hbm>>
        tpu.enqueue_dma source(%dma_start3A_283 : memref<2x80xi32, #tpu.memory_space<hbm>>) target(%dma_start3A_279 : memref<2x80xi32, #tpu.memory_space<vmem>>) target_semaphore(%dma_start3A_275 : memref<!tpu.dma_semaphore, #tpu.memory_space<semaphore_mem>>)
      } else {
      }
    }
    %scan3A_185 = arith.constant 125 : i32
    %dma_wait3A_186 = arith.constant 0 : i32
    %dma_wait3A_187 = arith.constant 4 : i32
    %dma_wait3A_188 = arith.constant 0 : i32
    %dma_wait3A_189 = arith.constant 0 : i32
    %dma_wait3A_190 = arith.constant 0 : i32
    %dma_wait3A_191 = arith.constant 0 : i32
    %dma_wait3A_192 = tpu.memref_slice %arg6[%dma_wait3A_186, %dma_wait3A_190, %dma_wait3A_191] : memref<4x80x128xf32, #tpu.memory_space<vmem>> -> memref<1x80x128xf32, #tpu.memory_space<vmem>>
    %dma_wait3A_193 = tpu.memref_squeeze %dma_wait3A_192 : memref<1x80x128xf32, #tpu.memory_space<vmem>> -> memref<80x128xf32, #tpu.memory_space<vmem>>
    %dma_wait3A_194 = arith.constant 0 : i32
    %dma_wait3A_195 = tpu.memref_slice %arg5[%dma_wait3A_187, %dma_wait3A_188, %dma_wait3A_194] : memref<5x2x80xi32, #tpu.memory_space<vmem>> -> memref<1x1x80xi32, #tpu.memory_space<vmem>>
    %dma_wait3A_196 = tpu.memref_squeeze %dma_wait3A_195 : memref<1x1x80xi32, #tpu.memory_space<vmem>> -> memref<80xi32, #tpu.memory_space<vmem>>
    %dma_wait3A_197 = arith.constant 0 : i32
    %dma_wait3A_198 = arith.constant 0 : i32
    %dma_wait3A_199 = tpu.memref_slice %arg7[%dma_wait3A_197, %dma_wait3A_198] : memref<10240x128xf32, #tpu.memory_space<vmem_shared>> -> memref<10240x128xf32, #tpu.memory_space<vmem_shared>>
    %dma_wait3A_200 = tpu.memref_slice %arg10[%dma_wait3A_189] : memref<4x!tpu.dma_semaphore, #tpu.memory_space<semaphore_mem>> -> memref<1x!tpu.dma_semaphore, #tpu.memory_space<semaphore_mem>>
    %dma_wait3A_201 = tpu.memref_squeeze %dma_wait3A_200 : memref<1x!tpu.dma_semaphore, #tpu.memory_space<semaphore_mem>> -> memref<!tpu.dma_semaphore, #tpu.memory_space<semaphore_mem>>
    tpu.wait_indirect_dma semaphore(%dma_wait3A_201 : memref<!tpu.dma_semaphore, #tpu.memory_space<semaphore_mem>>) src(%dma_wait3A_193 : memref<80x128xf32, #tpu.memory_space<vmem>>) dst(%dma_wait3A_199 : memref<10240x128xf32, #tpu.memory_space<vmem_shared>>)
    %barrier3A_202 = arith.constant 0 : index
    tpu.barrier barrier_id(%barrier3A_202)
    %mul3A_203 = arith.constant 640 : i32
    %mul3A_204 = arith.muli %arg1, %mul3A_203 : i32
    %mul3A_205 = arith.constant 640 : i32
    %mul3A_206 = arith.muli %arg1, %mul3A_205 : i32
    "tpu.region"() ({
      %run_scoped3A_207 = tpu.sem_alloc : memref<!tpu.dma_semaphore, #tpu.memory_space<semaphore_mem>>
      %dma_start3A_208 = arith.constant 0 : i32
      %dma_start3A_209 = tpu.memref_slice %arg4[%arg0, %mul3A_206, %dma_start3A_208] : memref<2x10240x128xf32, #tpu.memory_space<hbm>> -> memref<1x640x128xf32, #tpu.memory_space<hbm>>
      %dma_start3A_210 = tpu.memref_squeeze %dma_start3A_209 : memref<1x640x128xf32, #tpu.memory_space<hbm>> -> memref<640x128xf32, #tpu.memory_space<hbm>>
      %dma_start3A_211 = arith.constant 0 : i32
      %dma_start3A_212 = tpu.memref_slice %arg7[%mul3A_204, %dma_start3A_211] : memref<10240x128xf32, #tpu.memory_space<vmem_shared>> -> memref<640x128xf32, #tpu.memory_space<vmem_shared>>
      tpu.enqueue_dma source(%dma_start3A_212 : memref<640x128xf32, #tpu.memory_space<vmem_shared>>) target(%dma_start3A_210 : memref<640x128xf32, #tpu.memory_space<hbm>>) target_semaphore(%run_scoped3A_207 : memref<!tpu.dma_semaphore, #tpu.memory_space<semaphore_mem>>)
      %dma_wait3A_213 = arith.constant 0 : i32
      %dma_wait3A_214 = tpu.memref_slice %arg4[%arg0, %mul3A_206, %dma_wait3A_213] : memref<2x10240x128xf32, #tpu.memory_space<hbm>> -> memref<1x640x128xf32, #tpu.memory_space<hbm>>
      %dma_wait3A_215 = tpu.memref_squeeze %dma_wait3A_214 : memref<1x640x128xf32, #tpu.memory_space<hbm>> -> memref<640x128xf32, #tpu.memory_space<hbm>>
      %dma_wait3A_216 = arith.constant 0 : i32
      %dma_wait3A_217 = tpu.memref_slice %arg7[%mul3A_204, %dma_wait3A_216] : memref<10240x128xf32, #tpu.memory_space<vmem_shared>> -> memref<640x128xf32, #tpu.memory_space<vmem_shared>>
      tpu.wait_dma2 semaphore(%run_scoped3A_207 : memref<!tpu.dma_semaphore, #tpu.memory_space<semaphore_mem>>) src(%dma_wait3A_217 : memref<640x128xf32, #tpu.memory_space<vmem_shared>>) dst(%dma_wait3A_215 : memref<640x128xf32, #tpu.memory_space<hbm>>)
      tpu.yield
    }) : () -> ()
    return
  }
}

module attributes {stable_mosaic.version = 14 : i64} {
  func.func @_mm_body(%arg0: i32, %arg1: memref<2000x128xf32, #tpu.memory_space<vmem>>, %arg2: memref<128x128xf32, #tpu.memory_space<vmem>>, %arg3: memref<2000x128xf32, #tpu.memory_space<vmem>>) attributes {dimension_semantics = [#tpu.dimension_semantics<arbitrary>], iteration_bounds = array<i64: 5>, scalar_prefetch = 0 : i64, scratch_operands = 0 : i64, tpu.core_type = #tpu.core_type<tc>, window_params = [{transform_indices = @transform_0, window_bounds = array<i64: 2000, 128>}, {pipeline_mode = #tpu.pipeline_mode<synchronous>, transform_indices = @transform_1, window_bounds = array<i64: 128, 128>}, {transform_indices = @transform_2, window_bounds = array<i64: 2000, 128>}]} {
    %get3A = arith.constant 0 : index
    %get3A_0 = arith.constant 0 : index
    %get3A_1 = vector.load %arg1[%get3A, %get3A_0] : memref<2000x128xf32, #tpu.memory_space<vmem>>, vector<2000x128xf32>
    %get3A_2 = arith.constant 0 : index
    %get3A_3 = arith.constant 0 : index
    %get3A_4 = vector.load %arg2[%get3A_2, %get3A_3] : memref<128x128xf32, #tpu.memory_space<vmem>>, vector<128x128xf32>
    %dot_general3A = arith.constant dense<0.000000e+00> : vector<2000x128xf32>
    %dot_general3A_5 = tpu.matmul %get3A_1, %get3A_4, %dot_general3A {dimension_numbers = #tpu.dot_dimension_numbers<[1], [0], [0], [1], [0, 0, 1, 1], [], []>, transpose_lhs_hint = false} : vector<2000x128xf32>, vector<128x128xf32>, vector<2000x128xf32> -> vector<2000x128xf32>
    %swap3A = arith.constant 0 : index
    %swap3A_6 = arith.constant 0 : index
    %swap3A_7 = vector.load %arg3[%swap3A, %swap3A_6] : memref<2000x128xf32, #tpu.memory_space<vmem>>, vector<2000x128xf32>
    tpu.vector_store %arg3[%swap3A, %swap3A_6], %dot_general3A_5 {strides = array<i32>} : memref<2000x128xf32, #tpu.memory_space<vmem>>, vector<2000x128xf32>,
    return
  }
  func.func @transform_0(%arg0: i32) -> (i32, i32) {
    %c0_i32 = arith.constant 0 : i32
    %c0_i32_0 = arith.constant 0 : i32
    return %arg0, %c0_i32 : i32, i32
  }
  func.func @transform_1(%arg0: i32) -> (i32, i32) {
    %c0_i32 = arith.constant 0 : i32
    %c0_i32_0 = arith.constant 0 : i32
    %c0_i32_1 = arith.constant 0 : i32
    return %c0_i32, %c0_i32_0 : i32, i32
  }
  func.func @transform_2(%arg0: i32) -> (i32, i32) {
    %c0_i32 = arith.constant 0 : i32
    %c0_i32_0 = arith.constant 0 : i32
    return %arg0, %c0_i32 : i32, i32
  }
}

module attributes {stable_mosaic.version = 14 : i64} {
  func.func @_combine_body(%arg0: i32, %arg1: memref<1x1xf32, #tpu.memory_space<smem>>, %arg2: memref<2x1000x128xf32, #tpu.memory_space<vmem>>, %arg3: memref<1000x128xf32, #tpu.memory_space<vmem>>, %arg4: memref<1000x128xf32, #tpu.memory_space<vmem>>) attributes {dimension_semantics = [#tpu.dimension_semantics<arbitrary>], iteration_bounds = array<i64: 10>, scalar_prefetch = 0 : i64, scratch_operands = 0 : i64, tpu.core_type = #tpu.core_type<tc>, window_params = [{transform_indices = @transform_0, window_bounds = array<i64: 1, 1>}, {transform_indices = @transform_1, window_bounds = array<i64: 2, 1000, 128>}, {transform_indices = @transform_2, window_bounds = array<i64: 1000, 128>}, {transform_indices = @transform_3, window_bounds = array<i64: 1000, 128>}]} {
    %get3A = arith.constant 0 : index
    %get3A_0 = arith.constant 0 : index
    %get3A_1 = arith.constant 0 : index
    %get3A_2 = vector.load %arg2[%get3A, %get3A_0, %get3A_1] : memref<2x1000x128xf32, #tpu.memory_space<vmem>>, vector<1x1000x128xf32>
    %get3A_3 = vector.shape_cast %get3A_2 : vector<1x1000x128xf32> to vector<1000x128xf32>
    %get3A_4 = arith.constant 1 : index
    %get3A_5 = arith.constant 0 : index
    %get3A_6 = arith.constant 0 : index
    %get3A_7 = vector.load %arg2[%get3A_4, %get3A_5, %get3A_6] : memref<2x1000x128xf32, #tpu.memory_space<vmem>>, vector<1x1000x128xf32>
    %get3A_8 = vector.shape_cast %get3A_7 : vector<1x1000x128xf32> to vector<1000x128xf32>
    %add3A = arith.addf %get3A_3, %get3A_8 : vector<1000x128xf32>
    %get3A_9 = arith.constant 0 : index
    %get3A_10 = arith.constant 0 : index
    %get3A_11 = memref.load %arg1[%get3A_9, %get3A_10] : memref<1x1xf32, #tpu.memory_space<smem>>
    %get3A_12 = arith.constant 0 : index
    %get3A_13 = arith.constant 0 : index
    %get3A_14 = vector.load %arg3[%get3A_12, %get3A_13] : memref<1000x128xf32, #tpu.memory_space<vmem>>, vector<1000x128xf32>
    %mul3A = vector.broadcast %get3A_11 : f32 to vector<1000x128xf32>
    %mul3A_15 = arith.mulf %mul3A, %get3A_14 : vector<1000x128xf32>
    %add3A_16 = arith.addf %add3A, %mul3A_15 : vector<1000x128xf32>
    %swap3A = arith.constant 0 : index
    %swap3A_17 = arith.constant 0 : index
    %swap3A_18 = vector.load %arg4[%swap3A, %swap3A_17] : memref<1000x128xf32, #tpu.memory_space<vmem>>, vector<1000x128xf32>
    tpu.vector_store %arg4[%swap3A, %swap3A_17], %add3A_16 {strides = array<i32>} : memref<1000x128xf32, #tpu.memory_space<vmem>>, vector<1000x128xf32>,
    return
  }
  func.func @transform_0(%arg0: i32) -> (i32, i32) {
    %c0_i32 = arith.constant 0 : i32
    %c0_i32_0 = arith.constant 0 : i32
    %c0_i32_1 = arith.constant 0 : i32
    return %c0_i32, %c0_i32_0 : i32, i32
  }
  func.func @transform_1(%arg0: i32) -> (i32, i32, i32) {
    %c0_i32 = arith.constant 0 : i32
    %c0_i32_0 = arith.constant 0 : i32
    %c0_i32_1 = arith.constant 0 : i32
    return %c0_i32, %arg0, %c0_i32_0 : i32, i32, i32
  }
  func.func @transform_2(%arg0: i32) -> (i32, i32) {
    %c0_i32 = arith.constant 0 : i32
    %c0_i32_0 = arith.constant 0 : i32
    return %arg0, %c0_i32 : i32, i32
  }
  func.func @transform_3(%arg0: i32) -> (i32, i32) {
    %c0_i32 = arith.constant 0 : i32
    %c0_i32_0 = arith.constant 0 : i32
    return %arg0, %c0_i32 : i32, i32
  }
}

</mosaic_0001>

<sc_bundles>
// kernel: kernel.5.cloned.1.call-start
scs
__scs_entry_jumppad:
0x0: {  	(pc) =	sbr.rel $0x88, $3  }
0x1: {  	(tag) =	ssettag $0x0;
	lr =	simm.s32 $0x1  }
0x2: {  	[smem:$0x3F9D] =	sst lr;
	_ =	strace $0xD0000000  }
0x3: {  	_ = 	snop  }
0x4: {  	_ = 	snop  }
0x5: {  	_ = 	snop  }
0x6: {  	_ = 	snop  }
0x7: {  	_ = 	snop  }
__scs_overlays_trampoline_lowered:
0x8: {  	[smem:$0x3FAC] =	sst s0  }
0x9: {  	[smem:$0x3FAD] =	sst s1  }
0xa: {  	[smem:$0x3FAE] =	sst s2  }
0xb: {  	[smem:$0x3FAF] =	sst s3  }
0xc: {  	[smem:$0x3FB0] =	sst s4  }
0xd: {  	[smem:$0x3FB1] =	sst s5  }
0xe: {  	[smem:$0x3FB2] =	sst s6  }
0xf: {  	[smem:$0x3FB3] =	sst s7  }
0x10: {  	[smem:$0x3FB4] =	sst s8  }
0x11: {  	[smem:$0x3FB5] =	sst s9;
	s0 =	simm.s32 @!p0 $0x0  }
0x12: {  	s1 =	sld [smem:$0x3F9B];
	s0 =	simm.s32 @p0 $0x1  }
0x13: {  	[smem:$0x3FB6] =	sst s0;
	s0 =	simm.s32 @!p1 $0x0  }
0x14: {  	s2 =	sld [smem:$0x3F9A];
	s0 =	simm.s32 @p1 $0x1  }
0x15: {  	[smem:$0x3FB7] =	sst s0;
	s0 =	simm.s32 @!p2 $0x0  }
0x16: {  	s3 =	sld [smem:$0x3FDB];
	s0 =	simm.s32 @p2 $0x1  }
0x17: {  	s4 =	simm.s32 $0x1BF5;
	[smem:$0x3FB9] =	sst s0  }
0x18: {  	s0 =	sld [smem:$0x3F9C];
	_ =	swait.ge [sflag:s4], $0x0  }
0x19: {  	s7 =	sld [smem:$0x3F9D]  }
0x1a: {  	s8 =	sadd.s32 $0xFFFFE003, lr  }
0x1b: {  	s9 =	sadd.s32 $0xFFFFFEF7, lr;
	s5 =	simm.s32 $0xFFFFFFFF;
	p2 =	slt.u32 s8, $0xFFFFF086  }
0x1c: {  	p1 =	slt.u32 s9, $0xF7A;
	s5 =	simm.s32 @!p2 $0x0  }
0x1d: {  	s5 =	simm.s32 @p1 $0x1;
	p0 =	seq.s32 s7, s2  }
0x1e: {  	s7 =	smul.u32 @!p0 $0xF7A, s2;
	p2 =	seq.s32 @!p0 s5, $0x0  }
0x1f: {  	s9 =	smul.u32 $0xF7A, s1;
	s8 =	simm.s32 @!p0 $0x1BF5;
	p2 =	por !p2, p0  }
0x20: {  	[sflag:s8] =	ssyncset.s32 @!p0 $0xFFFFF086;
	s6 =	sadd.s32 @!p0 s3, s7;
	s7 =	simm.s32 @!p0 $0x108  }
0x21: {  	s3 =	sadd.s32 s3, s9;
	s6 =	sadd.s32 @!p0 $0x88, s6;
	s7 =	simm.s32 @p2 $0x1082  }
0x22: {  	[simem:s7], [sflag:s8] =	dma.local @!p0 [hbm:s6], $0xF7A  }
0x23: {  	s9 =	sor.u32 $0xD0000000, s2;
	s6 =	simm.s32 $0x108;
	_ =	swait.ge @!p0 [sflag:s8], $0x0  }
0x24: {  	s3 =	sadd.s32 $0x88, s3;
	s6 =	simm.s32 @!p1 $0x1082;
	[sflag:s4] =	ssyncset.s32 $0xFFFFF086  }
0x25: {  	[simem:s6], [sflag:s4] =	dma.local [hbm:s3], $0xF7A  }
0x26: {  	[smem:$0x3F9D] =	sst s1;
	(tag) =	ssettag s2;
	_ =	strace s9  }
0x27: {  	s1 =	sld [smem:$0x3FAD]  }
0x28: {  	s2 =	sld [smem:$0x3FAE]  }
0x29: {  	s4 =	sld [smem:$0x3FB0]  }
0x2a: {  	p0 =	seq.s32 s5, $0x0;
	s5 =	sld [smem:$0x3FB1]  }
0x2b: {  	s6 =	sld [smem:$0x3FB2]  }
0x2c: {  	s7 =	sld [smem:$0x3FB3]  }
0x2d: {  	s3 =	simm.s32 $0x108;
	s8 =	sld [smem:$0x3FB4]  }
0x2e: {  	s3 =	simm.s32 @!p0 $0x1082;
	s9 =	sld [smem:$0x3FB5]  }
0x2f: {  	lr =	sadd.s32 s0, s3;
	s0 =	sld [smem:$0x3FAC]  }
0x30: {  	s3 =	sld [smem:$0x3FAF]  }
0x31: {  	[smem:$0x3FB8] =	sst s10  }
0x32: {  	s10 =	sld [smem:$0x3FB6];
	_ =	sdelay $0x3  }
0x33: {  	p0 =	seq.s32 s10, $0x1;
	s10 =	sld [smem:$0x3FB8];
	_ =	sdelay $0x3  }
0x34: {  	[smem:$0x3FB8] =	sst s10  }
0x35: {  	s10 =	sld [smem:$0x3FB7];
	_ =	sdelay $0x3  }
0x36: {  	p1 =	seq.s32 s10, $0x1;
	s10 =	sld [smem:$0x3FB8];
	_ =	sdelay $0x3  }
0x37: {  	[smem:$0x3FB8] =	sst s10  }
0x38: {  	s10 =	sld [smem:$0x3FB9]  }
0x39: {  	_ = 	snop;
	(pc) =	sbr.ind lr, $3  }
0x3a: {  	_ = 	snop  }
0x3b: {  	_ = 	snop  }
0x3c: {  	p2 =	seq.s32 s10, $0x1;
	s10 =	sld [smem:$0x3FB8]  }
0x3d: {  	_ =	shalt  }
0x3e: {  	_ =	shalt  }
0x3f: {  	_ =	shalt  }
0x40: {  	_ =	shalt  }
0x41: {  	_ =	shalt  }
0x42: {  	_ =	shalt  }
0x43: {  	_ =	shalt  }
0x44: {  	_ =	shalt  }
0x45: {  	_ =	shalt  }
0x46: {  	_ =	shalt  }
0x47: {  	_ =	shalt  }
0x48: {  	_ =	shalt  }
0x49: {  	_ =	shalt  }
0x4a: {  	_ =	shalt  }
0x4b: {  	_ =	shalt  }
0x4c: {  	_ =	shalt  }
0x4d: {  	_ =	shalt  }
0x4e: {  	_ =	shalt  }
0x4f: {  	_ =	shalt  }
0x50: {  	_ =	shalt  }
0x51: {  	_ =	shalt  }
0x52: {  	_ =	shalt  }
0x53: {  	_ =	shalt  }
0x54: {  	_ =	shalt  }
0x55: {  	_ =	shalt  }
0x56: {  	_ =	shalt  }
0x57: {  	_ =	shalt  }
0x58: {  	_ =	shalt  }
0x59: {  	_ =	shalt  }
0x5a: {  	_ =	shalt  }
0x5b: {  	_ =	shalt  }
0x5c: {  	_ =	shalt  }
0x5d: {  	_ =	shalt  }
0x5e: {  	_ =	shalt  }
0x5f: {  	_ =	shalt  }
0x60: {  	_ =	shalt  }
0x61: {  	_ =	shalt  }
0x62: {  	_ =	shalt  }
0x63: {  	_ =	shalt  }
0x64: {  	_ =	shalt  }
0x65: {  	_ =	shalt  }
0x66: {  	_ =	shalt  }
0x67: {  	_ =	shalt  }
0x68: {  	_ =	shalt  }
0x69: {  	_ =	shalt  }
0x6a: {  	_ =	shalt  }
0x6b: {  	_ =	shalt  }
0x6c: {  	_ =	shalt  }
0x6d: {  	_ =	shalt  }
0x6e: {  	_ =	shalt  }
0x6f: {  	_ =	shalt  }
0x70: {  	_ =	shalt  }
0x71: {  	_ =	shalt  }
0x72: {  	_ =	shalt  }
0x73: {  	_ =	shalt  }
0x74: {  	_ =	shalt  }
0x75: {  	_ =	shalt  }
0x76: {  	_ =	shalt  }
0x77: {  	_ =	shalt  }
0x78: {  	_ =	shalt  }
0x79: {  	_ =	shalt  }
0x7a: {  	_ =	shalt  }
0x7b: {  	_ =	shalt  }
0x7c: {  	_ =	shalt  }
0x7d: {  	_ =	shalt  }
0x7e: {  	_ =	shalt  }
0x7f: {  	_ =	shalt  }
0x80: {  	_ =	shalt  }
0x81: {  	_ =	shalt  }
0x82: {  	_ =	shalt  }
0x83: {  	_ =	shalt  }
0x84: {  	_ =	shalt  }
0x85: {  	_ =	shalt  }
0x86: {  	_ =	shalt  }
0x87: {  	_ =	shalt  }
.Lfunc_end0:
.L_simem_size_0:
called_computation_lowered:
.L_overlay_start_0:
0x88: {  	s2 =	sld [smem:$0x3FD9]  }
0x89: {  	s3 =	sld [smem:$0x3FFE];
	_ =	sdelay $0x1  }
0x8a: {  	s1 =	srdreg.scid  }
0x8b: {  	s0 =	sand.u32 $0x1, s1  }
0x8c: {  	s17 =	sshll.u32 s0, $0xA;
	s2 =	sadd.s32 s3, s2  }
0x8d: {  	s2 =	sadd.s32 s2, s17  }
0x8e: {  	[smem:$0x3FC4] =	sst s2  }
0x8f: {  	_ = 	snop  }
0x90: {  	s2 =	sld [smem:$0x3FD0];
	(tm) =	ssettm $0x1  }
0x91: {  	s18 =	sld [smem:$0x3FFB];
	_ =	sdelay $0x3  }
0x92: {  	_ =	strace s18  }
0x93: {  	s3 =	sld [smem:$0x3FFC];
	_ =	sdelay $0x3  }
0x94: {  	_ =	strace s3  }
0x95: {  	s3 =	sld [smem:$0x3FFD];
	_ =	sdelay $0x3  }
0x96: {  	_ =	strace s3  }
0x97: {  	_ =	strace $0x8FFFFFFF  }
0x98: {  	s19 =	sld [smem:$0x3FDB];
	_ =	sdelay $0x1  }
0x99: {  	s4 =	simm.s32 $_scs_section_size  }
0x9a: {  	s5 =	simm.s32 $_size__tile_overlayer_lowered;
	s6 =	simm.s32 $_tile_overlayer_lowered  }
0x9b: {  	s22 =	simm.s32 $0x1BFF;
	s21 =	sshll.u32 s6, $0x1;
	s3 =	sadd.s32 s4, s19  }
0x9c: {  	s7 =	simm.s32 $0x0;
	s20 =	sshll.u32 s5, $0x1;
	s5 =	sadd.s32 s21, s3  }
0x9d: {  	[timem:s7], [sflag:s22] =	dma.local [hbm:s5], s20  }
0x9e: {  	_ =	swait.ge [sflag:s22], s20  }
0x9f: {  	s4 =	ssub.s32 $0x0, s20;
	[sflag:s22] =	ssyncset.done $0x0  }
0xa0: {  	[sflag:s22] =	ssyncadd.s32 s4;
	_ =	sdelay $0x1  }
0xa1: {  	s23 =	simm.s32 $0x1B8B  }
0xa2: {  	_ =	swait.ge [sflag:s23], $0x1  }
0xa3: {  	[sflag:s23] =	ssyncset.done $0x0  }
0xa4: {  	s25 =	simm.s32 $0x1B8E;
	s24 =	sld [smem:$0x3FFE];
	[sflag:s23] =	ssyncadd.s32 $0xFFFFFFFF  }
0xa5: {  	s26 =	simm.s32 $execute0_lowered;
	[smem:$0x3FD2] =	sst s25  }
0xa6: {  	s5 =	sshll.u32 s26, $0x1;
	_ =	strace $0x80000046;
	[dreg:$0x1] =	wrdreg $0xFFFFFFFF  }
0xa7: {  	s28 =	simm.s32 $_size_execute0_lowered;
	s3 =	sadd.s32 s3, s5;
	[dreg:$0x0] =	wrdreg $0x0  }
0xa8: {  	s5 =	sshll.u32 s28, $0x1;
	[dreg:$0x2] =	wrdreg s3  }
0xa9: {  	[dreg:$0x3] =	wrdreg s5  }
0xaa: {  	[dreg:$0x4] =	wrdreg $0xC0  }
0xab: {  	_ =	task [dreg:s7], $0x5FFFF  }
0xac: {  	[dreg:$0x1] =	wrdreg $0xFFFFFFFF  }
0xad: {  	[dreg:$0x0] =	wrdreg $0x60  }
0xae: {  	[dreg:$0x2] =	wrdreg s2  }
0xaf: {  	[dreg:$0x3] =	wrdreg s24  }
0xb0: {  	[dreg:$0x4] =	wrdreg $0xA5000  }
0xb1: {  	[dreg:$0x5] =	wrdreg $0x9  }
0xb2: {  	_ =	task.clear_ibuf [dreg:s7], $0x6FFFF;
	_ =	strace $0x90000046  }
0xb3: {  	s29 =	simm.s32 $0x9;
	_ =	strace $0x80000048  }
0xb4: {  	_ =	swait.ge [sflag:s29], $0x1  }
0xb5: {  	[sflag:s29] =	ssyncadd.s32 $0xFFFFFFFF  }
0xb6: {  	_ =	strace $0x90000048  }
0xb7: {  	_ =	sfence  }
0xb8: {  	s30 =	sld [smem:$0x0];
	_ =	sdelay $0x2  }
0xb9: {  	s31 =	sshll.u32 s1, $0xD;
	s1 =	sshrl.u32 s1, $0x2  }
0xba: {  	s3 =	sand.u32 $0x4000, s31;
	s1 =	sadd.s32 s1, s30  }
0xbb: {  	s0 =	sor.u32 s3, s0;
	s1 =	sshll.u32 s1, $0x11  }
0xbc: {  	s0 =	sor.u32 s1, s0  }
0xbd: {  	s0 =	sadd.s32 $0x8F2B, s0  }
0xbe: {  	[sflag:s0] =	ssyncadd.remote.s32 $0x1  }
0xbf: {  	_ =	sfence.sel $0xFFFF  }
0xc0: {  	[dreg:$0x0] =	wrdreg $0xFFFFFFFF;
	(pc) =	sbr.abs _section_cstart, $3  }
0xc1: {  	[dreg:$0x1] =	wrdreg $0xFFFFFFFF  }
0xc2: {  	_ =	task.clear_ibuf [dreg:s7], $0x2FFFF;
	_ =	strace $0x9FFFFFFF  }
0xc3: {  	(tm) =	ssettm $0x7FFFFFFF  }
tec
execute0_lowered:
.L_overlay_start_1:
0x0: {  	(tag) =	ssettag $0x1  }
0x1: {  	s1 =	rddreg [dreg:$0x0]  }
0x2: {  	s0 =	rddreg [dreg:$0x1]  }
0x3: {  	s2 =	rddreg [dreg:$0x2]  }
0x4: {  	s3 =	srdreg.scid;
	s4 =	simm.s32 $0x0;
	s10 =	stileid.u32  }
0x5: {  	s20 =	simm.s32 $0x1;
	s21 =	simm.s32 $0x50;
	s6 =	smul.u32 $0x14000, s10  }
0x6: {  	s29 =	simm.s32 $0x5500;
	s30 =	simm.s32 $0xE;
	s9 =	smul.u32 $0x50000, s10  }
0x7: {  	s31 =	simm.s32 $0xA;
	s3 =	sand.u32 $0x1, s3;
	s13 =	smul.u32 $0xFA00, s10  }
0x8: {  	[smem:$0x7FF] =	sst s4;
	s7 =	sshll.u32 s10, $0x1;
	s5 =	smul.u32 $0x140000, s3  }
0x9: {  	s7 =	sor.u32 s3, s7;
	s24 =	ssub.s32 $0x2, s3;
	s3 =	smul.u32 $0x7D00, s3  }
0xa: {  	s18 =	sadd.s32 $0x1400, s0;
	_ =	strace $0x80000047;
	s7 =	smul.u32 $0x7D00, s7  }
0xb: {  	s8 =	sshrl.u32 s24, $0x1;
	s26 =	sshrl.u32 s9, $0x2;
	s5 =	sadd.s32 s6, s5  }
0xc: {  	s17 =	ssub.s32 s24, s8;
	s3 =	sadd.s32 s3, s13;
	s24 =	simm.s32 $0x2  }
0xd: {  	s5 =	sshrl.u32 s5, $0x3;
	s25 =	sshrl.u32 s7, $0x3;
	s7 =	sadd.s32 s26, s2  }
0xe: {  	s3 =	sadd.s32 $0x300, s3;
	s17 =	smax.u32 s17, $0x1;
	s0 =	sadd.s32 s5, s0  }
.Ltmp0:
0xf: {  	s5 =	sadd.s32 s18, s25;
	s9 =	sadd.s32 $0x2800, s7;
	(pc) =	sbr.rel .LBB2_1-.Ltmp0, $4  }
0x10: {  	s10 =	sadd.s32 $0x5000, s7;
	s11 =	sadd.s32 $0x7800, s7;
	s12 =	sadd.s32 $0xA000, s7  }
0x11: {  	s13 =	sadd.s32 $0xC800, s7;
	s14 =	sadd.s32 $0xF000, s7;
	s15 =	sadd.s32 $0x11800, s7  }
0x12: {  	s28 =	sshrl.u32 s3, $0x3;
	s6 =	sadd.s32 $0x20, s5;
	s8 =	sadd.s32 $0x40, s5  }
0x13: {  	v0 =	vimm.f32 $0.0e+00;
	s16 =	sadd.s32 $0x20800, s0;
	s19 =	sadd.s32 s28, s18;
	s0 =	simm.s32 $0x0  }
.LBB2_9:
0x14: {  	_ =	swait.ge [sflag:s31], $0x2800;
	s3 =	stileid.u32  }
0x15: {  	s18 =	sshrl.u32 s7, $0x3;
	s0 =	sadd.s32 $0x1, s0;
	[sflag:s31] =	ssyncset.done $0x0  }
0x16: {  	s3 =	sshll.u32 s3, $0x6;
	p0 =	sne.s32 s0, s17;
	[sflag:s31] =	ssyncadd.s32 $0xFFFFD800  }
.Ltmp1:
0x17: {  	s3 =	sor.u32 $0x1C0E, s3;
	[bflag:$0x0] =	sbarrier.arrive $0xFFFF;
	(pc) =	sbr.rel @!p0 .LBB2_10-.Ltmp1, $4  }
0x18: {  	[hbm:s16], [sflag:s3] =	dma.local [spmem:s18], $0x2800  }
0x19: {  	_ =	swait.ge [sflag:s30], $0x2800  }
0x1a: {  	[sflag:s30] =	ssyncset.done $0x0  }
0x1b: {  	[sflag:s30] =	ssyncadd.s32 $0xFFFFD800  }
.LBB2_1:
0x1c: {  	[tilespmem:s4], [sflag:$0x1] =	stream.linear.gather [hbm4b:s5+s4], $0x100, $0x38;
	[tilespmem:$0x1E500] =	vst v63  }
0x1d: {  	s3 =	simm.s32 $0x100  }
0x1e: {  	[tilespmem:s3], [sflag:$0x2] =	stream.linear.gather [hbm4b:s6+s4], $0x100, $0x38;
	[tilespmem:$0x1E500] =	vst v63  }
0x1f: {  	_ =	swait.ge [sflag:s20], $0x100  }
0x20: {  	[sflag:s20] =	ssyncset.done $0x0  }
0x21: {  	s23 =	simm.s32 $0x80;
	s18 =	simm.s32 $0x500;
	[sflag:s20] =	ssyncadd.s32 $0xFFFFFF00  }
0x22: {  	[tilespmem:s18], [sflag:$0x6] =	stream.indirect.gather [hbm4b:s1+s21], $0x80, s23, s21, $0xb8;
	[tilespmem:$0x1E500] =	vst v63  }
0x23: {  	_ =	swait.ge [sflag:s24], $0x100  }
0x24: {  	[sflag:s24] =	ssyncset.done $0x0  }
0x25: {  	s25 =	simm.s32 $0x180;
	s26 =	simm.s32 $0x2D00;
	[sflag:s24] =	ssyncadd.s32 $0xFFFFFF00  }
0x26: {  	[tilespmem:s26], [sflag:$0x7] =	stream.indirect.gather [hbm4b:s1+s21], $0x80, s25, s21, $0xb8;
	[tilespmem:$0x1E500] =	vst v63  }
0x27: {  	s28 =	simm.s32 $0x200;
	s3 =	simm.s32 $0x0;
	s18 =	simm.s32 $0x200  }
0x28: {  	[tilespmem:s28], [sflag:$0x3] =	stream.linear.gather [hbm4b:s8+s4], $0x100, $0x38;
	[tilespmem:$0x1E500] =	vst v63  }
.LBB2_2:
0x29: {  	p0 =	sne.s32 s18, $0x9E00;
	[tilespmem:s3+$0x5570] =	vst v0  }
0x2a: {  	[tilespmem:s3+$0x5500] =	vst v0  }
0x2b: {  	[tilespmem:s3+$0x5510] =	vst v0  }
.Ltmp2:
0x2c: {  	[tilespmem:s3+$0x5520] =	vst v0;
	(pc) =	sbr.rel @p0 .LBB2_2-.Ltmp2, $4  }
0x2d: {  	[tilespmem:s3+$0x5530] =	vst v0  }
0x2e: {  	[tilespmem:s3+$0x5540] =	vst v0  }
0x2f: {  	[tilespmem:s3+$0x5550] =	vst v0  }
0x30: {  	[tilespmem:s3+$0x5560] =	vst v0;
	s3 =	sshra.s32 s18, $0x2;
	s18 =	sadd.s32 $0x200, s18  }
0x31: {  	[tilespmem:s3+$0x5570] =	vst v0  }
0x32: {  	[tilespmem:s3+$0x5500] =	vst v0  }
0x33: {  	[tilespmem:s3+$0x5510] =	vst v0  }
0x34: {  	[tilespmem:s3+$0x5520] =	vst v0  }
0x35: {  	[tilespmem:s3+$0x5530] =	vst v0  }
0x36: {  	[tilespmem:s3+$0x5540] =	vst v0  }
0x37: {  	[tilespmem:s3+$0x5550] =	vst v0  }
0x38: {  	[tilespmem:s3+$0x5560] =	vst v0  }
0x39: {  	[spmem:s7] =	stream.linear.scatter [tilespmem:s29], [sflag:$0xE], $0x2800, $0x38;
	[tilespmem:$0x1E500] =	vst v63  }
0x3a: {  	_ =	swait.ge [sflag:s30], $0x2800  }
0x3b: {  	[sflag:s30] =	ssyncset.done $0x0  }
0x3c: {  	[sflag:s30] =	ssyncadd.s32 $0xFFFFD800  }
0x3d: {  	[spmem:s9] =	stream.linear.scatter [tilespmem:s29], [sflag:$0xE], $0x2800, $0x38;
	[tilespmem:$0x1E500] =	vst v63  }
0x3e: {  	_ =	swait.ge [sflag:s30], $0x2800  }
0x3f: {  	[sflag:s30] =	ssyncset.done $0x0  }
0x40: {  	[sflag:s30] =	ssyncadd.s32 $0xFFFFD800  }
0x41: {  	[spmem:s10] =	stream.linear.scatter [tilespmem:s29], [sflag:$0xE], $0x2800, $0x38;
	[tilespmem:$0x1E500] =	vst v63  }
0x42: {  	_ =	swait.ge [sflag:s30], $0x2800  }
0x43: {  	[sflag:s30] =	ssyncset.done $0x0  }
0x44: {  	[sflag:s30] =	ssyncadd.s32 $0xFFFFD800  }
0x45: {  	[spmem:s11] =	stream.linear.scatter [tilespmem:s29], [sflag:$0xE], $0x2800, $0x38;
	[tilespmem:$0x1E500] =	vst v63  }
0x46: {  	_ =	swait.ge [sflag:s30], $0x2800  }
0x47: {  	[sflag:s30] =	ssyncset.done $0x0  }
0x48: {  	[sflag:s30] =	ssyncadd.s32 $0xFFFFD800  }
0x49: {  	[spmem:s12] =	stream.linear.scatter [tilespmem:s29], [sflag:$0xE], $0x2800, $0x38;
	[tilespmem:$0x1E500] =	vst v63  }
0x4a: {  	_ =	swait.ge [sflag:s30], $0x2800  }
0x4b: {  	[sflag:s30] =	ssyncset.done $0x0  }
0x4c: {  	[sflag:s30] =	ssyncadd.s32 $0xFFFFD800  }
0x4d: {  	[spmem:s13] =	stream.linear.scatter [tilespmem:s29], [sflag:$0xE], $0x2800, $0x38;
	[tilespmem:$0x1E500] =	vst v63  }
0x4e: {  	_ =	swait.ge [sflag:s30], $0x2800  }
0x4f: {  	[sflag:s30] =	ssyncset.done $0x0  }
0x50: {  	[sflag:s30] =	ssyncadd.s32 $0xFFFFD800  }
0x51: {  	[spmem:s14] =	stream.linear.scatter [tilespmem:s29], [sflag:$0xE], $0x2800, $0x38;
	[tilespmem:$0x1E500] =	vst v63  }
0x52: {  	_ =	swait.ge [sflag:s30], $0x2800  }
0x53: {  	[sflag:s30] =	ssyncset.done $0x0  }
0x54: {  	[sflag:s30] =	ssyncadd.s32 $0xFFFFD800  }
0x55: {  	[spmem:s15] =	stream.linear.scatter [tilespmem:s29], [sflag:$0xE], $0x2800, $0x38;
	[tilespmem:$0x1E500] =	vst v63  }
.Ltmp3:
0x56: {  	_ =	swait.ge [sflag:s30], $0x2800;
	(pc) =	sbr.rel .LBB2_4-.Ltmp3, $4  }
0x57: {  	[sflag:s30] =	ssyncset.done $0x0  }
0x58: {  	[sflag:s30] =	ssyncadd.s32 $0xFFFFD800  }
0x59: {  	[bflag:$0x0] =	sbarrier.arrive $0xFFFF  }
0x5a: {  	s3 =	simm.s32 $0x0;
	s18 =	smov.u32 s19  }
.LBB2_5:
0x5b: {  	[spmem:s2] =	stream.indirect.scatter.add.f32 [tilespmem:s22], [sflag:s23], $0x80, s4, s21, $0xb8;
	[tilespmem:$0x1E500] =	vst v63  }
.LBB2_7:
0x5c: {  	s22 =	sadd.s32 $0x3, s3  }
0x5d: {  	s23 =	smul.u32 $0xCD, s22;
	_ =	sdelay $0x1  }
0x5e: {  	s23 =	sshrl.u32 s23, $0xA  }
0x5f: {  	s23 =	sand.u32 $0x3F, s23  }
0x60: {  	s23 =	smul.u32 $0x5, s23;
	_ =	sdelay $0x1  }
0x61: {  	s22 =	ssub.s32 s22, s23  }
0x62: {  	s22 =	sand.u32 $0xFF, s22  }
0x63: {  	s28 =	sshll.u32 s22, $0x8;
	s22 =	sadd.s32 $0x1, s22  }
0x64: {  	[tilespmem:s28], [sflag:s22] =	stream.linear.gather [hbm4b:s18+s4], $0x100, $0x38;
	[tilespmem:$0x1E500] =	vst v63  }
.LBB2_8:
0x65: {  	s3 =	sadd.s32 $0x1, s3  }
0x66: {  	p0 =	sne.s32 s3, $0x7D  }
.Ltmp4:
0x67: {  	_ = 	snop;
	(pc) =	sbr.rel @!p0 .LBB2_9-.Ltmp4, $2  }
0x68: {  	_ =	sdelay $0x2  }
0x69: {  	s18 =	sadd.s32 $0x20, s18  }
.LBB2_4:
0x6a: {  	p0 =	sgt.u32 s3, $0x7A  }
0x6b: {  	s22 =	sadd.s32 @!p0 $0x2, s3  }
0x6c: {  	s23 =	smul.u32 @!p0 $0xCD, s22;
	_ =	sdelay $0x1  }
0x6d: {  	s23 =	sshrl.u32 @!p0 s23, $0xA  }
0x6e: {  	s23 =	sand.u32 @!p0 $0x3F, s23  }
0x6f: {  	s23 =	smul.u32 @!p0 $0x5, s23;
	_ =	sdelay $0x1  }
0x70: {  	s23 =	ssub.s32 @!p0 s22, s23  }
0x71: {  	s22 =	sand.u32 @!p0 $0x3, s22;
	s23 =	sand.u32 @!p0 $0xFF, s23  }
0x72: {  	s26 =	smul.u32 @!p0 $0xA000, s22;
	s25 =	sadd.s32 @!p0 $0x1, s23  }
0x73: {  	s22 =	sadd.s32 @!p0 $0x6, s22;
	s23 =	sshll.u32 @!p0 s23, $0x8;
	_ =	swait.ge @!p0 [sflag:s25], $0x100  }
0x74: {  	s26 =	sshrl.u32 @!p0 s26, $0x2;
	s23 =	sor.u32 @!p0 $0x80, s23;
	[sflag:s25] =	ssyncset.done @!p0 $0x0  }
0x75: {  	[sflag:s25] =	ssyncadd.s32 @!p0 $0xFFFFFF00;
	s25 =	sor.u32 @!p0 $0x500, s26;
	s26 =	simm.s32 @!p0 $0x50  }
0x76: {  	[tilespmem:s25], [sflag:s22] =	stream.indirect.gather @!p0 [hbm4b:s1+s26], $0x80, s23, s26, $0xb8;
	[tilespmem:$0x1E500] =	vst v63  }
0x77: {  	p0 =	sne.s32 s3, $0x0  }
.Ltmp5:
0x78: {  	s28 =	sand.u32 $0x3, s3;
	(pc) =	sbr.rel @!p0 .LBB2_5-.Ltmp5, $4  }
0x79: {  	s25 =	smul.u32 $0xA000, s28;
	s26 =	sadd.s32 $0x6, s28  }
0x7a: {  	_ =	swait.ge [sflag:s26], $0x2800  }
0x7b: {  	s22 =	sshrl.u32 s25, $0x2;
	[sflag:s26] =	ssyncset.done $0x0  }
0x7c: {  	s23 =	sadd.s32 $0xA, s28;
	s22 =	sor.u32 $0x500, s22;
	[sflag:s26] =	ssyncadd.s32 $0xFFFFD800  }
0x7d: {  	s25 =	smul.u32 $0xCD, s3;
	_ =	sdelay $0x1  }
0x7e: {  	s25 =	sshrl.u32 s25, $0xA  }
0x7f: {  	s26 =	sadd.s32 $0xFFFFFFFF, s3;
	s25 =	sand.u32 $0x3F, s25  }
0x80: {  	p0 =	sgt.u32 s3, $0x79;
	s26 =	sand.u32 $0x3, s26;
	s25 =	smul.u32 $0x5, s25  }
.Ltmp6:
0x81: {  	s26 =	sadd.s32 $0xA, s26;
	(pc) =	sbr.rel @p0 .LBB2_8-.Ltmp6, $4  }
.Ltmp7:
0x82: {  	_ =	swait.ge [sflag:s26], $0x2800;
	s25 =	ssub.s32 s3, s25;
	(pc) =	sbr.rel @!p0 .LBB2_7-.Ltmp7, $4  }
0x83: {  	[sflag:s26] =	ssyncset.done $0x0;
	s25 =	sand.u32 $0xFF, s25  }
0x84: {  	[sflag:s26] =	ssyncadd.s32 $0xFFFFD800;
	s25 =	sshll.u32 s25, $0x8  }
0x85: {  	[spmem:s2] =	stream.indirect.scatter.add.f32 [tilespmem:s22], [sflag:s23], $0x80, s25, s21, $0xb8;
	[tilespmem:$0x1E500] =	vst v63  }
0x86: {  	_ = 	snop  }
.LBB2_10:
0x87: {  	_ =	sfence.sel $0x180000  }
0x88: {  	[bflag:$0x0] =	sbarrier.arrive $0xFFFF  }
0x89: {  	_ =	strace $0x90000047  }
0x8a: {  	s0 =	stileid.u32;
	[bflag:$0x2] =	sbarrier.arrive $0xFFFF  }
0x8b: {  	p0 =	sne.s32 s0, $0x0;
	s0 =	rddreg [dreg:$0x3]  }
0x8c: {  	s0 =	sadd.s32 @!p0 $0x100000, s0  }
0x8d: {  	[sflag:s0] =	ssyncadd.tile.s32 @!p0 $0x1;
	_ =	shalt  }
.Lfunc_end2:
_tile_overlayer_lowered:
.L_overlay_start_2:
0x8e: {  	(tag) =	ssettag $0x2  }
0x8f: {  	s0 =	rddreg [dreg:$0x0];
	s2 =	stileid.u32  }
0x90: {  	s1 =	rddreg [dreg:$0x1];
	p0 =	sne.s32 s2, $0x0  }
0x91: {  	s3 =	rddreg [dreg:$0x2];
	[bflag:$0x3] =	sbarrier.arrive $0xFFFF;
	s2 =	simm.s32 @!p0 $0x1C0E  }
0x92: {  	[timem:s3], [sflag:s2] =	dma.local @!p0 [hbm:s0], s1  }
0x93: {  	s0 =	simm.s32 @!p0 $0xE  }
0x94: {  	_ =	swait.ge @!p0 [sflag:s0], s1  }
0x95: {  	s1 =	ssub.s32 @!p0 $0x0, s1;
	[sflag:s0] =	ssyncset.done @!p0 $0x0  }
0x96: {  	[sflag:s0] =	ssyncadd.s32 @!p0 s1  }
0x97: {  	[bflag:$0x3] =	sbarrier.arrive $0xFFFF  }
0x98: {  	_ =	shalt  }

</sc_bundles>
